<compile_context>
chip_gen: v7x
topology: tpu7x:2x2x1
jax: 0.10.2.dev20260603
libtpu: 0.0.44.dev20260713+nightly
codegen_flags: <defaults>
</compile_context>

<pallas_src>
import functools

import jax
import jax.numpy as jnp
from jax import lax
from jax.experimental import pallas as pl
from jax.experimental.pallas import tpu as pltpu
from jax.experimental.pallas import tpu_sc as plsc

NC = 2
NS = 16
NW = NC * NS
K = 80
NB = 5
GLAT = 2
GLAT_DEG = 4


def _mesh():
    return plsc.VectorSubcoreMesh(core_axis_name="c", subcore_axis_name="s")


@functools.lru_cache(maxsize=None)
def _deg_kernel(E, NPAD):
    EPW = E // NW
    NCH = EPW // K
    SPT = NPAD // NS

    @functools.partial(
        pl.kernel,
        out_type=jax.ShapeDtypeStruct((NC * NPAD,), jnp.float32),
        mesh=_mesh(),
        scratch_types=[
            pltpu.VMEM_SHARED((NPAD,), jnp.float32),
            pltpu.VMEM((SPT,), jnp.float32),
            pltpu.VMEM((K,), jnp.float32),
            [pltpu.VMEM((K,), jnp.int32) for _ in range(NB)],
            [pltpu.SemaphoreType.DMA for _ in range(NB)],
        ],
    )
    def deg_kernel(dstr_hbm, out_hbm, deg_sh, zbuf, ones_v, dbufs, isem):
        c = lax.axis_index("c")
        s = lax.axis_index("s")
        wid = c * NS + s

        def zfill(i, _):
            zbuf[pl.ds(i * 16, 16)] = jnp.zeros((16,), jnp.float32)
            return 0

        lax.fori_loop(0, SPT // 16, zfill, 0)

        def ofill(i, _):
            ones_v[pl.ds(i * 16, 16)] = jnp.ones((16,), jnp.float32)
            return 0

        lax.fori_loop(0, K // 16, ofill, 0)

        pltpu.sync_copy(zbuf, deg_sh.at[pl.ds(s * SPT, SPT)])
        plsc.subcore_barrier()

        def body(i, _):
            pltpu.sync_copy(dstr_hbm.at[wid, i], dbufs[0])
            pltpu.sync_copy(ones_v, deg_sh.at[dbufs[0]], add=True)
            return 0

        lax.fori_loop(0, NCH, body, 0)
        plsc.subcore_barrier()

        pltpu.sync_copy(deg_sh.at[pl.ds(s * SPT, SPT)], zbuf)
        pltpu.sync_copy(zbuf, out_hbm.at[pl.ds(c * NPAD + s * SPT, SPT)])

    return deg_kernel


@functools.lru_cache(maxsize=None)
def _agg_kernel(E, N, H):
    EPW = E // NW
    NCH = EPW // K
    RPT = (N // NS) & ~7
    TAIL = N - NS * RPT

    @functools.partial(
        pl.kernel,
        out_type=jax.ShapeDtypeStruct((NC, N, H), jnp.float32),
        mesh=_mesh(),
        compiler_params=pltpu.CompilerParams(use_tc_tiling_on_sc=False),
        scratch_types=[
            pltpu.VMEM_SHARED((N, H), jnp.float32),
            pltpu.VMEM((RPT, H), jnp.float32),
            [pltpu.VMEM((K, H), jnp.float32) for _ in range(NB)],
            [pltpu.VMEM((K,), jnp.int32) for _ in range(NB)],
            [pltpu.VMEM((K,), jnp.int32) for _ in range(NB)],
            [pltpu.SemaphoreType.DMA for _ in range(NB)],
            [pltpu.SemaphoreType.DMA for _ in range(NB)],
            [pltpu.SemaphoreType.DMA for _ in range(NB)],
        ],
    )
    def agg_kernel(hs_hbm, srcr_hbm, dstr_hbm, out_hbm, acc_sh, stage_v,
                   rows, sbufs, dbufs, gsem, isem, jsem):
        c = lax.axis_index("c")
        s = lax.axis_index("s")
        wid = c * NS + s

        pltpu.sync_copy(hs_hbm.at[pl.ds(s * RPT, RPT)], stage_v)
        pltpu.sync_copy(stage_v, acc_sh.at[pl.ds(s * RPT, RPT)])
        if TAIL:
            @pl.when(s == NS - 1)
            def _():
                pltpu.sync_copy(hs_hbm.at[pl.ds(NS * RPT, TAIL)],
                                stage_v.at[pl.ds(0, TAIL)])
                pltpu.sync_copy(stage_v.at[pl.ds(0, TAIL)],
                                acc_sh.at[pl.ds(NS * RPT, TAIL)])
        plsc.subcore_barrier()

        def body(i, _):
            pltpu.sync_copy(srcr_hbm.at[wid, i], sbufs[0])
            pltpu.sync_copy(dstr_hbm.at[wid, i], dbufs[0])
            pltpu.async_copy(hs_hbm.at[sbufs[0]], rows[0], gsem[0]).wait()
            pltpu.sync_copy(rows[0], acc_sh.at[dbufs[0]], add=True)
            return 0

        lax.fori_loop(0, NCH, body, 0)
        plsc.subcore_barrier()

        pltpu.sync_copy(acc_sh.at[pl.ds(s * RPT, RPT)], stage_v)
        pltpu.sync_copy(stage_v, out_hbm.at[c, pl.ds(s * RPT, RPT)])
        if TAIL:
            @pl.when(s == NS - 1)
            def _():
                pltpu.sync_copy(acc_sh.at[pl.ds(NS * RPT, TAIL)],
                                stage_v.at[pl.ds(0, TAIL)])
                pltpu.sync_copy(stage_v.at[pl.ds(0, TAIL)],
                                out_hbm.at[c, pl.ds(NS * RPT, TAIL)])

    return agg_kernel


def _tc_b(deg_ref, x_ref, w_ref, hs_ref, dinv_ref):
    n = x_ref.shape[0]
    deg = deg_ref[0] + deg_ref[1] + 1.0
    dinv = lax.rsqrt(deg)[:n]
    h = jnp.dot(x_ref[...], w_ref[...], preferred_element_type=jnp.float32)
    hs_ref[...] = h * dinv
    dinv_ref[...] = dinv


def _tc_d(acc_ref, hs_ref, dinv_ref, b_ref, w_ref, x1_ref, hs2_ref):
    agg = acc_ref[0] + acc_ref[1] - hs_ref[...]
    x1 = jnp.maximum(dinv_ref[...] * agg + b_ref[...], 0.0)
    x1_ref[...] = x1
    hs2_ref[...] = jnp.dot(
        x1, w_ref[...], preferred_element_type=jnp.float32) * dinv_ref[...]


def _tc_f(acc_ref, hs_ref, dinv_ref, b_ref, x1_ref, wl_ref, bl_ref, out_ref):
    agg = acc_ref[0] + acc_ref[1] - hs_ref[...]
    x2 = jnp.maximum(dinv_ref[...] * agg + b_ref[...], 0.0)
    xc = jnp.concatenate([x1_ref[...], x2], axis=1)
    out_ref[...] = jnp.maximum(
        jnp.dot(xc, wl_ref[...], preferred_element_type=jnp.float32)
        + bl_ref[...], 0.0)


def kernel(x, edge_index, W1, b1, W2, b2, Wl, bl):
    N, D = x.shape
    H = W1.shape[1]
    C = Wl.shape[1]
    E = edge_index.shape[1]
    NPAD = ((N + 8 * NS - 1) // (8 * NS)) * (8 * NS)
    EPW = E // NW
    NCH = EPW // K

    srcr = edge_index[0].reshape(NW, NCH, K)
    dstr = edge_index[1].reshape(NW, NCH, K)

    deg = _deg_kernel(E, NPAD)(dstr)
    deg3 = deg.reshape(NC, NPAD, 1)

    hs1, dinv = pl.pallas_call(
        _tc_b,
        out_shape=[
            jax.ShapeDtypeStruct((N, H), jnp.float32),
            jax.ShapeDtypeStruct((N, 1), jnp.float32),
        ],
    )(deg3, x, W1)

    agg = _agg_kernel(E, N, H)
    acc1 = agg(hs1, srcr, dstr)

    x1, hs2 = pl.pallas_call(
        _tc_d,
        out_shape=[
            jax.ShapeDtypeStruct((N, H), jnp.float32),
            jax.ShapeDtypeStruct((N, H), jnp.float32),
        ],
    )(acc1, hs1, dinv, b1.reshape(1, H), W2)

    acc2 = agg(hs2, srcr, dstr)

    out = pl.pallas_call(
        _tc_f,
        out_shape=jax.ShapeDtypeStruct((N, C), jnp.float32),
    )(acc2, hs2, dinv, b2.reshape(1, H), x1, Wl, bl.reshape(1, C))
    return out

# --- scband reference (transcript-rebuilt; emitter-appended) ---
"""Pipeline reference for scband-gcn-ancestor-sequential-38981123179104 (READ-ONLY COPY).

The authoritative reference and input builder live on the scoring server;
editing this copy changes nothing except your own understanding.
"""

import jax, jax.numpy as jnp
import numpy as np

N = 10000
E = 320000
D = 128
H = 64
C = 40


def setup_inputs(seed: int = 0) -> dict:
    key = jax.random.key(seed)
    ks = jax.random.split(key, 8)
    x = jax.random.normal(ks[0], (N, D), dtype=jnp.float32)
    edge_index = jax.random.randint(ks[1], (2, E), 0, N, dtype=jnp.int32)
    W1 = jax.random.normal(ks[2], (D, H), dtype=jnp.float32) * (1.0 / np.sqrt(D))
    b1 = jnp.zeros((H,), dtype=jnp.float32)
    W2 = jax.random.normal(ks[3], (H, H), dtype=jnp.float32) * (1.0 / np.sqrt(H))
    b2 = jnp.zeros((H,), dtype=jnp.float32)
    Wl = jax.random.normal(ks[4], (2 * H, C), dtype=jnp.float32) * (1.0 / np.sqrt(2 * H))
    bl = jnp.zeros((C,), dtype=jnp.float32)
    return {"x": x, "edge_index": edge_index, "W1": W1, "b1": b1, "W2": W2, "b2": b2, "Wl": Wl, "bl": bl}


def _add_self_loops(edge_index, n):
    loop = jnp.arange(n, dtype=edge_index.dtype)
    src = jnp.concatenate([edge_index[0], loop])
    dst = jnp.concatenate([edge_index[1], loop])
    return src, dst


def _gcn_conv(h_in, src, dst, W, b, n):
    # GCNConv: linear transform, symmetric degree normalization, scatter-add aggregation
    h = h_in @ W
    ones = jnp.ones(src.shape[0], dtype=h.dtype)
    deg = jax.ops.segment_sum(ones, dst, num_segments=n)
    dinv = jnp.where(deg > 0, jax.lax.rsqrt(deg), 0.0)
    norm = dinv[src] * dinv[dst]
    msg = h[src] * norm[:, None]
    out = jax.ops.segment_sum(msg, dst, num_segments=n)
    return out + b


def reference(x, edge_index, W1, b1, W2, b2, Wl, bl):
    # seq_model path: Dropout(eval=identity) -> GCNConv -> ReLU -> GCNConv -> ReLU
    #                 -> JumpingKnowledge('cat') -> Linear -> ReLU
    n = x.shape[0]
    src, dst = _add_self_loops(edge_index, n)
    x1 = jax.nn.relu(_gcn_conv(x, src, dst, W1, b1, n))
    x2 = jax.nn.relu(_gcn_conv(x1, src, dst, W2, b2, n))
    xc = jnp.concatenate([x1, x2], axis=-1)
    out = jax.nn.relu(xc @ Wl + bl)
    return out

if __name__ == "__main__":
    import jax
    _d = setup_inputs()
    print(jax.jit(kernel)(*tuple(_d.values())))

</pallas_src>

<mosaic_0001>
#map = affine_map<(d0, d1) -> (0, 0)>
#map1 = affine_map<(d0, d1) -> (0, 0, 0)>
module attributes {stable_mosaic.version = 14 : i64} {
  func.func @agg_kernel(%arg0: i32, %arg1: i32, %arg2: memref<10000x64xf32, #tpu.memory_space<hbm>>, %arg3: memref<32x125x80xi32, #tpu.memory_space<hbm>>, %arg4: memref<32x125x80xi32, #tpu.memory_space<hbm>>, %arg5: memref<2x10000x64xf32, #tpu.memory_space<hbm>>, %arg6: memref<10000x64xf32, #tpu.memory_space<vmem_shared>>, %arg7: memref<624x64xf32, #tpu.memory_space<vmem>>, %arg8: memref<80x64xf32, #tpu.memory_space<vmem>>, %arg9: memref<80x64xf32, #tpu.memory_space<vmem>>, %arg10: memref<80x64xf32, #tpu.memory_space<vmem>>, %arg11: memref<80x64xf32, #tpu.memory_space<vmem>>, %arg12: memref<80x64xf32, #tpu.memory_space<vmem>>, %arg13: memref<80xi32, #tpu.memory_space<vmem>>, %arg14: memref<80xi32, #tpu.memory_space<vmem>>, %arg15: memref<80xi32, #tpu.memory_space<vmem>>, %arg16: memref<80xi32, #tpu.memory_space<vmem>>, %arg17: memref<80xi32, #tpu.memory_space<vmem>>, %arg18: memref<80xi32, #tpu.memory_space<vmem>>, %arg19: memref<80xi32, #tpu.memory_space<vmem>>, %arg20: memref<80xi32, #tpu.memory_space<vmem>>, %arg21: memref<80xi32, #tpu.memory_space<vmem>>, %arg22: memref<80xi32, #tpu.memory_space<vmem>>, %arg23: memref<!tpu.dma_semaphore, #tpu.memory_space<semaphore_mem>>, %arg24: memref<!tpu.dma_semaphore, #tpu.memory_space<semaphore_mem>>, %arg25: memref<!tpu.dma_semaphore, #tpu.memory_space<semaphore_mem>>, %arg26: memref<!tpu.dma_semaphore, #tpu.memory_space<semaphore_mem>>, %arg27: memref<!tpu.dma_semaphore, #tpu.memory_space<semaphore_mem>>, %arg28: memref<!tpu.dma_semaphore, #tpu.memory_space<semaphore_mem>>, %arg29: memref<!tpu.dma_semaphore, #tpu.memory_space<semaphore_mem>>, %arg30: memref<!tpu.dma_semaphore, #tpu.memory_space<semaphore_mem>>, %arg31: memref<!tpu.dma_semaphore, #tpu.memory_space<semaphore_mem>>, %arg32: memref<!tpu.dma_semaphore, #tpu.memory_space<semaphore_mem>>, %arg33: memref<!tpu.dma_semaphore, #tpu.memory_space<semaphore_mem>>, %arg34: memref<!tpu.dma_semaphore, #tpu.memory_space<semaphore_mem>>, %arg35: memref<!tpu.dma_semaphore, #tpu.memory_space<semaphore_mem>>, %arg36: memref<!tpu.dma_semaphore, #tpu.memory_space<semaphore_mem>>, %arg37: memref<!tpu.dma_semaphore, #tpu.memory_space<semaphore_mem>>) attributes {dimension_semantics = [#tpu.dimension_semantics<core_parallel>, #tpu.dimension_semantics<subcore_parallel>], iteration_bounds = array<i64: 2, 16>, scalar_prefetch = 0 : i64, scratch_operands = 32 : i64, tpu.core_type = #tpu.core_type<sc_vector_subcore>, window_params = [{transform_indices = #map}, {transform_indices = #map1}, {transform_indices = #map1}, {transform_indices = #map1}]} {
    %mul3A = arith.constant 16 : i32
    %mul3A_0 = arith.muli %arg0, %mul3A : i32
    %add3A = arith.addi %mul3A_0, %arg1 : i32
    %mul3A_1 = arith.constant 624 : i32
    %mul3A_2 = arith.muli %arg1, %mul3A_1 : i32
    "tpu.region"() ({
      %run_scoped3A = tpu.sem_alloc : memref<!tpu.dma_semaphore, #tpu.memory_space<semaphore_mem>>
      %dma_start3A = arith.constant 0 : i32
      %dma_start3A_23 = tpu.memref_slice %arg2[%mul3A_2, %dma_start3A] : memref<10000x64xf32, #tpu.memory_space<hbm>> -> memref<624x64xf32, #tpu.memory_space<hbm>>
      %dma_start3A_24 = arith.constant 0 : i32
      %dma_start3A_25 = tpu.memref_slice %arg2[%mul3A_2, %dma_start3A_24] : memref<10000x64xf32, #tpu.memory_space<hbm>> -> memref<624x64xf32, #tpu.memory_space<hbm>>
      tpu.enqueue_dma source(%dma_start3A_25 : memref<624x64xf32, #tpu.memory_space<hbm>>) target(%arg7 : memref<624x64xf32, #tpu.memory_space<vmem>>) target_semaphore(%run_scoped3A : memref<!tpu.dma_semaphore, #tpu.memory_space<semaphore_mem>>)
      %dma_wait3A = arith.constant 0 : i32
      %dma_wait3A_26 = tpu.memref_slice %arg2[%mul3A_2, %dma_wait3A] : memref<10000x64xf32, #tpu.memory_space<hbm>> -> memref<624x64xf32, #tpu.memory_space<hbm>>
      %dma_wait3A_27 = arith.constant 0 : i32
      %dma_wait3A_28 = tpu.memref_slice %arg2[%mul3A_2, %dma_wait3A_27] : memref<10000x64xf32, #tpu.memory_space<hbm>> -> memref<624x64xf32, #tpu.memory_space<hbm>>
      tpu.wait_dma2 semaphore(%run_scoped3A : memref<!tpu.dma_semaphore, #tpu.memory_space<semaphore_mem>>) src(%dma_wait3A_28 : memref<624x64xf32, #tpu.memory_space<hbm>>) dst(%arg7 : memref<624x64xf32, #tpu.memory_space<vmem>>)
      tpu.yield
    }) : () -> ()
    %mul3A_3 = arith.constant 624 : i32
    %mul3A_4 = arith.muli %arg1, %mul3A_3 : i32
    "tpu.region"() ({
      %run_scoped3A = tpu.sem_alloc : memref<!tpu.dma_semaphore, #tpu.memory_space<semaphore_mem>>
      %dma_start3A = arith.constant 0 : i32
      %dma_start3A_23 = tpu.memref_slice %arg6[%mul3A_4, %dma_start3A] : memref<10000x64xf32, #tpu.memory_space<vmem_shared>> -> memref<624x64xf32, #tpu.memory_space<vmem_shared>>
      %dma_start3A_24 = arith.constant 0 : i32
      %dma_start3A_25 = tpu.memref_slice %arg6[%mul3A_4, %dma_start3A_24] : memref<10000x64xf32, #tpu.memory_space<vmem_shared>> -> memref<624x64xf32, #tpu.memory_space<vmem_shared>>
      tpu.enqueue_dma source(%arg7 : memref<624x64xf32, #tpu.memory_space<vmem>>) target(%dma_start3A_25 : memref<624x64xf32, #tpu.memory_space<vmem_shared>>) target_semaphore(%run_scoped3A : memref<!tpu.dma_semaphore, #tpu.memory_space<semaphore_mem>>)
      %dma_wait3A = arith.constant 0 : i32
      %dma_wait3A_26 = tpu.memref_slice %arg6[%mul3A_4, %dma_wait3A] : memref<10000x64xf32, #tpu.memory_space<vmem_shared>> -> memref<624x64xf32, #tpu.memory_space<vmem_shared>>
      %dma_wait3A_27 = arith.constant 0 : i32
      %dma_wait3A_28 = tpu.memref_slice %arg6[%mul3A_4, %dma_wait3A_27] : memref<10000x64xf32, #tpu.memory_space<vmem_shared>> -> memref<624x64xf32, #tpu.memory_space<vmem_shared>>
      tpu.wait_dma2 semaphore(%run_scoped3A : memref<!tpu.dma_semaphore, #tpu.memory_space<semaphore_mem>>) src(%arg7 : memref<624x64xf32, #tpu.memory_space<vmem>>) dst(%dma_wait3A_28 : memref<624x64xf32, #tpu.memory_space<vmem_shared>>)
      tpu.yield
    }) : () -> ()
    %eq3A = arith.constant 15 : i32
    %eq3A_5 = arith.cmpi eq, %arg1, %eq3A : i32
    %convert_element_type3A = arith.extui %eq3A_5 : i1 to i32
    %cond3A = arith.constant 0 : i32
    %cond3A_6 = arith.cmpi ne, %convert_element_type3A, %cond3A : i32
    scf.if %cond3A_6 {
      "tpu.region"() ({
        %run_scoped3A = tpu.sem_alloc : memref<!tpu.dma_semaphore, #tpu.memory_space<semaphore_mem>>
        %dma_start3A = arith.constant 0 : i32
        %dma_start3A_23 = arith.constant 0 : i32
        %dma_start3A_24 = tpu.memref_slice %arg7[%dma_start3A, %dma_start3A_23] : memref<624x64xf32, #tpu.memory_space<vmem>> -> memref<16x64xf32, #tpu.memory_space<vmem>>
        %dma_start3A_25 = arith.constant 9984 : i32
        %dma_start3A_26 = arith.constant 0 : i32
        %dma_start3A_27 = tpu.memref_slice %arg2[%dma_start3A_25, %dma_start3A_26] : memref<10000x64xf32, #tpu.memory_space<hbm>> -> memref<16x64xf32, #tpu.memory_space<hbm>>
        %dma_start3A_28 = arith.constant 0 : i32
        %dma_start3A_29 = arith.constant 0 : i32
        %dma_start3A_30 = tpu.memref_slice %arg7[%dma_start3A_28, %dma_start3A_29] : memref<624x64xf32, #tpu.memory_space<vmem>> -> memref<16x64xf32, #tpu.memory_space<vmem>>
        %dma_start3A_31 = arith.constant 9984 : i32
        %dma_start3A_32 = arith.constant 0 : i32
        %dma_start3A_33 = tpu.memref_slice %arg2[%dma_start3A_31, %dma_start3A_32] : memref<10000x64xf32, #tpu.memory_space<hbm>> -> memref<16x64xf32, #tpu.memory_space<hbm>>
        tpu.enqueue_dma source(%dma_start3A_33 : memref<16x64xf32, #tpu.memory_space<hbm>>) target(%dma_start3A_30 : memref<16x64xf32, #tpu.memory_space<vmem>>) target_semaphore(%run_scoped3A : memref<!tpu.dma_semaphore, #tpu.memory_space<semaphore_mem>>)
        %dma_wait3A = arith.constant 0 : i32
        %dma_wait3A_34 = arith.constant 0 : i32
        %dma_wait3A_35 = tpu.memref_slice %arg7[%dma_wait3A, %dma_wait3A_34] : memref<624x64xf32, #tpu.memory_space<vmem>> -> memref<16x64xf32, #tpu.memory_space<vmem>>
        %dma_wait3A_36 = arith.constant 9984 : i32
        %dma_wait3A_37 = arith.constant 0 : i32
        %dma_wait3A_38 = tpu.memref_slice %arg2[%dma_wait3A_36, %dma_wait3A_37] : memref<10000x64xf32, #tpu.memory_space<hbm>> -> memref<16x64xf32, #tpu.memory_space<hbm>>
        %dma_wait3A_39 = arith.constant 0 : i32
        %dma_wait3A_40 = arith.constant 0 : i32
        %dma_wait3A_41 = tpu.memref_slice %arg7[%dma_wait3A_39, %dma_wait3A_40] : memref<624x64xf32, #tpu.memory_space<vmem>> -> memref<16x64xf32, #tpu.memory_space<vmem>>
        %dma_wait3A_42 = arith.constant 9984 : i32
        %dma_wait3A_43 = arith.constant 0 : i32
        %dma_wait3A_44 = tpu.memref_slice %arg2[%dma_wait3A_42, %dma_wait3A_43] : memref<10000x64xf32, #tpu.memory_space<hbm>> -> memref<16x64xf32, #tpu.memory_space<hbm>>
        tpu.wait_dma2 semaphore(%run_scoped3A : memref<!tpu.dma_semaphore, #tpu.memory_space<semaphore_mem>>) src(%dma_wait3A_44 : memref<16x64xf32, #tpu.memory_space<hbm>>) dst(%dma_wait3A_41 : memref<16x64xf32, #tpu.memory_space<vmem>>)
        tpu.yield
      }) : () -> ()
      "tpu.region"() ({
        %run_scoped3A = tpu.sem_alloc : memref<!tpu.dma_semaphore, #tpu.memory_space<semaphore_mem>>
        %dma_start3A = arith.constant 0 : i32
        %dma_start3A_23 = arith.constant 0 : i32
        %dma_start3A_24 = tpu.memref_slice %arg7[%dma_start3A, %dma_start3A_23] : memref<624x64xf32, #tpu.memory_space<vmem>> -> memref<16x64xf32, #tpu.memory_space<vmem>>
        %dma_start3A_25 = arith.constant 9984 : i32
        %dma_start3A_26 = arith.constant 0 : i32
        %dma_start3A_27 = tpu.memref_slice %arg6[%dma_start3A_25, %dma_start3A_26] : memref<10000x64xf32, #tpu.memory_space<vmem_shared>> -> memref<16x64xf32, #tpu.memory_space<vmem_shared>>
        %dma_start3A_28 = arith.constant 9984 : i32
        %dma_start3A_29 = arith.constant 0 : i32
        %dma_start3A_30 = tpu.memref_slice %arg6[%dma_start3A_28, %dma_start3A_29] : memref<10000x64xf32, #tpu.memory_space<vmem_shared>> -> memref<16x64xf32, #tpu.memory_space<vmem_shared>>
        %dma_start3A_31 = arith.constant 0 : i32
        %dma_start3A_32 = arith.constant 0 : i32
        %dma_start3A_33 = tpu.memref_slice %arg7[%dma_start3A_31, %dma_start3A_32] : memref<624x64xf32, #tpu.memory_space<vmem>> -> memref<16x64xf32, #tpu.memory_space<vmem>>
        tpu.enqueue_dma source(%dma_start3A_33 : memref<16x64xf32, #tpu.memory_space<vmem>>) target(%dma_start3A_30 : memref<16x64xf32, #tpu.memory_space<vmem_shared>>) target_semaphore(%run_scoped3A : memref<!tpu.dma_semaphore, #tpu.memory_space<semaphore_mem>>)
        %dma_wait3A = arith.constant 0 : i32
        %dma_wait3A_34 = arith.constant 0 : i32
        %dma_wait3A_35 = tpu.memref_slice %arg7[%dma_wait3A, %dma_wait3A_34] : memref<624x64xf32, #tpu.memory_space<vmem>> -> memref<16x64xf32, #tpu.memory_space<vmem>>
        %dma_wait3A_36 = arith.constant 9984 : i32
        %dma_wait3A_37 = arith.constant 0 : i32
        %dma_wait3A_38 = tpu.memref_slice %arg6[%dma_wait3A_36, %dma_wait3A_37] : memref<10000x64xf32, #tpu.memory_space<vmem_shared>> -> memref<16x64xf32, #tpu.memory_space<vmem_shared>>
        %dma_wait3A_39 = arith.constant 9984 : i32
        %dma_wait3A_40 = arith.constant 0 : i32
        %dma_wait3A_41 = tpu.memref_slice %arg6[%dma_wait3A_39, %dma_wait3A_40] : memref<10000x64xf32, #tpu.memory_space<vmem_shared>> -> memref<16x64xf32, #tpu.memory_space<vmem_shared>>
        %dma_wait3A_42 = arith.constant 0 : i32
        %dma_wait3A_43 = arith.constant 0 : i32
        %dma_wait3A_44 = tpu.memref_slice %arg7[%dma_wait3A_42, %dma_wait3A_43] : memref<624x64xf32, #tpu.memory_space<vmem>> -> memref<16x64xf32, #tpu.memory_space<vmem>>
        tpu.wait_dma2 semaphore(%run_scoped3A : memref<!tpu.dma_semaphore, #tpu.memory_space<semaphore_mem>>) src(%dma_wait3A_44 : memref<16x64xf32, #tpu.memory_space<vmem>>) dst(%dma_wait3A_41 : memref<16x64xf32, #tpu.memory_space<vmem_shared>>)
        tpu.yield
      }) : () -> ()
    } else {
    }
    %barrier3A = arith.constant 0 : index
    tpu.barrier barrier_id(%barrier3A)
    %scan3A = arith.constant 0 : i32
    %scan3A_7 = arith.constant 0 : i32
    %scan3A_8 = arith.constant 125 : i32
    %scan3A_9 = arith.addi %scan3A_7, %scan3A_8 : i32
    %scan3A_10 = arith.constant 1 : i32
    %scan3A_11 = scf.for %scan3A_23 = %scan3A_7 to %scan3A_9 step %scan3A_10 iter_args(%scan3A_24 = %scan3A) -> (i32)  : i32 {
      "tpu.region"() ({
        %run_scoped3A = tpu.sem_alloc : memref<!tpu.dma_semaphore, #tpu.memory_space<semaphore_mem>>
        %dma_start3A_30 = arith.constant 0 : i32
        %dma_start3A_31 = tpu.memref_slice %arg3[%add3A, %scan3A_23, %dma_start3A_30] : memref<32x125x80xi32, #tpu.memory_space<hbm>> -> memref<1x1x80xi32, #tpu.memory_space<hbm>>
        %dma_start3A_32 = tpu.memref_squeeze %dma_start3A_31 : memref<1x1x80xi32, #tpu.memory_space<hbm>> -> memref<80xi32, #tpu.memory_space<hbm>>
        %dma_start3A_33 = arith.constant 0 : i32
        %dma_start3A_34 = tpu.memref_slice %arg3[%add3A, %scan3A_23, %dma_start3A_33] : memref<32x125x80xi32, #tpu.memory_space<hbm>> -> memref<1x1x80xi32, #tpu.memory_space<hbm>>
        %dma_start3A_35 = tpu.memref_squeeze %dma_start3A_34 : memref<1x1x80xi32, #tpu.memory_space<hbm>> -> memref<80xi32, #tpu.memory_space<hbm>>
        tpu.enqueue_dma source(%dma_start3A_35 : memref<80xi32, #tpu.memory_space<hbm>>) target(%arg13 : memref<80xi32, #tpu.memory_space<vmem>>) target_semaphore(%run_scoped3A : memref<!tpu.dma_semaphore, #tpu.memory_space<semaphore_mem>>)
        %dma_wait3A_36 = arith.constant 0 : i32
        %dma_wait3A_37 = tpu.memref_slice %arg3[%add3A, %scan3A_23, %dma_wait3A_36] : memref<32x125x80xi32, #tpu.memory_space<hbm>> -> memref<1x1x80xi32, #tpu.memory_space<hbm>>
        %dma_wait3A_38 = tpu.memref_squeeze %dma_wait3A_37 : memref<1x1x80xi32, #tpu.memory_space<hbm>> -> memref<80xi32, #tpu.memory_space<hbm>>
        %dma_wait3A_39 = arith.constant 0 : i32
        %dma_wait3A_40 = tpu.memref_slice %arg3[%add3A, %scan3A_23, %dma_wait3A_39] : memref<32x125x80xi32, #tpu.memory_space<hbm>> -> memref<1x1x80xi32, #tpu.memory_space<hbm>>
        %dma_wait3A_41 = tpu.memref_squeeze %dma_wait3A_40 : memref<1x1x80xi32, #tpu.memory_space<hbm>> -> memref<80xi32, #tpu.memory_space<hbm>>
        tpu.wait_dma2 semaphore(%run_scoped3A : memref<!tpu.dma_semaphore, #tpu.memory_space<semaphore_mem>>) src(%dma_wait3A_41 : memref<80xi32, #tpu.memory_space<hbm>>) dst(%arg13 : memref<80xi32, #tpu.memory_space<vmem>>)
        tpu.yield
      }) : () -> ()
      "tpu.region"() ({
        %run_scoped3A = tpu.sem_alloc : memref<!tpu.dma_semaphore, #tpu.memory_space<semaphore_mem>>
        %dma_start3A_30 = arith.constant 0 : i32
        %dma_start3A_31 = tpu.memref_slice %arg4[%add3A, %scan3A_23, %dma_start3A_30] : memref<32x125x80xi32, #tpu.memory_space<hbm>> -> memref<1x1x80xi32, #tpu.memory_space<hbm>>
        %dma_start3A_32 = tpu.memref_squeeze %dma_start3A_31 : memref<1x1x80xi32, #tpu.memory_space<hbm>> -> memref<80xi32, #tpu.memory_space<hbm>>
        %dma_start3A_33 = arith.constant 0 : i32
        %dma_start3A_34 = tpu.memref_slice %arg4[%add3A, %scan3A_23, %dma_start3A_33] : memref<32x125x80xi32, #tpu.memory_space<hbm>> -> memref<1x1x80xi32, #tpu.memory_space<hbm>>
        %dma_start3A_35 = tpu.memref_squeeze %dma_start3A_34 : memref<1x1x80xi32, #tpu.memory_space<hbm>> -> memref<80xi32, #tpu.memory_space<hbm>>
        tpu.enqueue_dma source(%dma_start3A_35 : memref<80xi32, #tpu.memory_space<hbm>>) target(%arg18 : memref<80xi32, #tpu.memory_space<vmem>>) target_semaphore(%run_scoped3A : memref<!tpu.dma_semaphore, #tpu.memory_space<semaphore_mem>>)
        %dma_wait3A_36 = arith.constant 0 : i32
        %dma_wait3A_37 = tpu.memref_slice %arg4[%add3A, %scan3A_23, %dma_wait3A_36] : memref<32x125x80xi32, #tpu.memory_space<hbm>> -> memref<1x1x80xi32, #tpu.memory_space<hbm>>
        %dma_wait3A_38 = tpu.memref_squeeze %dma_wait3A_37 : memref<1x1x80xi32, #tpu.memory_space<hbm>> -> memref<80xi32, #tpu.memory_space<hbm>>
        %dma_wait3A_39 = arith.constant 0 : i32
        %dma_wait3A_40 = tpu.memref_slice %arg4[%add3A, %scan3A_23, %dma_wait3A_39] : memref<32x125x80xi32, #tpu.memory_space<hbm>> -> memref<1x1x80xi32, #tpu.memory_space<hbm>>
        %dma_wait3A_41 = tpu.memref_squeeze %dma_wait3A_40 : memref<1x1x80xi32, #tpu.memory_space<hbm>> -> memref<80xi32, #tpu.memory_space<hbm>>
        tpu.wait_dma2 semaphore(%run_scoped3A : memref<!tpu.dma_semaphore, #tpu.memory_space<semaphore_mem>>) src(%dma_wait3A_41 : memref<80xi32, #tpu.memory_space<hbm>>) dst(%arg18 : memref<80xi32, #tpu.memory_space<vmem>>)
        tpu.yield
      }) : () -> ()
      %dma_start3A = arith.constant 0 : i32
      %dma_start3A_25 = arith.constant 0 : i32
      %dma_start3A_26 = tpu.memref_slice %arg2[%dma_start3A, %dma_start3A_25] : memref<10000x64xf32, #tpu.memory_space<hbm>> -> memref<10000x64xf32, #tpu.memory_space<hbm>>
      tpu.enqueue_indirect_dma source(%dma_start3A_26 : memref<10000x64xf32, #tpu.memory_space<hbm>>) target(%arg8 : memref<80x64xf32, #tpu.memory_space<vmem>>) offsets(%arg13 : memref<80xi32, #tpu.memory_space<vmem>>) semaphore(%arg23 : memref<!tpu.dma_semaphore, #tpu.memory_space<semaphore_mem>>)
      %dma_wait3A = arith.constant 0 : i32
      %dma_wait3A_27 = arith.constant 0 : i32
      %dma_wait3A_28 = tpu.memref_slice %arg2[%dma_wait3A, %dma_wait3A_27] : memref<10000x64xf32, #tpu.memory_space<hbm>> -> memref<10000x64xf32, #tpu.memory_space<hbm>>
      tpu.wait_indirect_dma semaphore(%arg23 : memref<!tpu.dma_semaphore, #tpu.memory_space<semaphore_mem>>) src(%dma_wait3A_28 : memref<10000x64xf32, #tpu.memory_space<hbm>>) dst(%arg8 : memref<80x64xf32, #tpu.memory_space<vmem>>)
      "tpu.region"() ({
        %run_scoped3A = tpu.sem_alloc : memref<!tpu.dma_semaphore, #tpu.memory_space<semaphore_mem>>
        %dma_start3A_30 = arith.constant 0 : i32
        %dma_start3A_31 = arith.constant 0 : i32
        %dma_start3A_32 = tpu.memref_slice %arg6[%dma_start3A_30, %dma_start3A_31] : memref<10000x64xf32, #tpu.memory_space<vmem_shared>> -> memref<10000x64xf32, #tpu.memory_space<vmem_shared>>
        tpu.enqueue_indirect_dma source(%arg8 : memref<80x64xf32, #tpu.memory_space<vmem>>) target(%dma_start3A_32 : memref<10000x64xf32, #tpu.memory_space<vmem_shared>>) offsets(%arg18 : memref<80xi32, #tpu.memory_space<vmem>>) semaphore(%run_scoped3A : memref<!tpu.dma_semaphore, #tpu.memory_space<semaphore_mem>>) {add = true}
        %dma_wait3A_33 = arith.constant 0 : i32
        %dma_wait3A_34 = arith.constant 0 : i32
        %dma_wait3A_35 = tpu.memref_slice %arg6[%dma_wait3A_33, %dma_wait3A_34] : memref<10000x64xf32, #tpu.memory_space<vmem_shared>> -> memref<10000x64xf32, #tpu.memory_space<vmem_shared>>
        tpu.wait_indirect_dma semaphore(%run_scoped3A : memref<!tpu.dma_semaphore, #tpu.memory_space<semaphore_mem>>) src(%arg8 : memref<80x64xf32, #tpu.memory_space<vmem>>) dst(%dma_wait3A_35 : memref<10000x64xf32, #tpu.memory_space<vmem_shared>>)
        tpu.yield
      }) : () -> ()
      %scan3A_29 = arith.constant 0 : i32
      scf.yield %scan3A_29 : i32
    }
    %scan3A_12 = arith.constant 125 : i32
    %barrier3A_13 = arith.constant 0 : index
    tpu.barrier barrier_id(%barrier3A_13)
    %mul3A_14 = arith.constant 624 : i32
    %mul3A_15 = arith.muli %arg1, %mul3A_14 : i32
    "tpu.region"() ({
      %run_scoped3A = tpu.sem_alloc : memref<!tpu.dma_semaphore, #tpu.memory_space<semaphore_mem>>
      %dma_start3A = arith.constant 0 : i32
      %dma_start3A_23 = tpu.memref_slice %arg6[%mul3A_15, %dma_start3A] : memref<10000x64xf32, #tpu.memory_space<vmem_shared>> -> memref<624x64xf32, #tpu.memory_space<vmem_shared>>
      %dma_start3A_24 = arith.constant 0 : i32
      %dma_start3A_25 = tpu.memref_slice %arg6[%mul3A_15, %dma_start3A_24] : memref<10000x64xf32, #tpu.memory_space<vmem_shared>> -> memref<624x64xf32, #tpu.memory_space<vmem_shared>>
      tpu.enqueue_dma source(%dma_start3A_25 : memref<624x64xf32, #tpu.memory_space<vmem_shared>>) target(%arg7 : memref<624x64xf32, #tpu.memory_space<vmem>>) target_semaphore(%run_scoped3A : memref<!tpu.dma_semaphore, #tpu.memory_space<semaphore_mem>>)
      %dma_wait3A = arith.constant 0 : i32
      %dma_wait3A_26 = tpu.memref_slice %arg6[%mul3A_15, %dma_wait3A] : memref<10000x64xf32, #tpu.memory_space<vmem_shared>> -> memref<624x64xf32, #tpu.memory_space<vmem_shared>>
      %dma_wait3A_27 = arith.constant 0 : i32
      %dma_wait3A_28 = tpu.memref_slice %arg6[%mul3A_15, %dma_wait3A_27] : memref<10000x64xf32, #tpu.memory_space<vmem_shared>> -> memref<624x64xf32, #tpu.memory_space<vmem_shared>>
      tpu.wait_dma2 semaphore(%run_scoped3A : memref<!tpu.dma_semaphore, #tpu.memory_space<semaphore_mem>>) src(%dma_wait3A_28 : memref<624x64xf32, #tpu.memory_space<vmem_shared>>) dst(%arg7 : memref<624x64xf32, #tpu.memory_space<vmem>>)
      tpu.yield
    }) : () -> ()
    %mul3A_16 = arith.constant 624 : i32
    %mul3A_17 = arith.muli %arg1, %mul3A_16 : i32
    "tpu.region"() ({
      %run_scoped3A = tpu.sem_alloc : memref<!tpu.dma_semaphore, #tpu.memory_space<semaphore_mem>>
      %dma_start3A = arith.constant 0 : i32
      %dma_start3A_23 = tpu.memref_slice %arg5[%arg0, %mul3A_17, %dma_start3A] : memref<2x10000x64xf32, #tpu.memory_space<hbm>> -> memref<1x624x64xf32, #tpu.memory_space<hbm>>
      %dma_start3A_24 = tpu.memref_squeeze %dma_start3A_23 : memref<1x624x64xf32, #tpu.memory_space<hbm>> -> memref<624x64xf32, #tpu.memory_space<hbm>>
      %dma_start3A_25 = arith.constant 0 : i32
      %dma_start3A_26 = tpu.memref_slice %arg5[%arg0, %mul3A_17, %dma_start3A_25] : memref<2x10000x64xf32, #tpu.memory_space<hbm>> -> memref<1x624x64xf32, #tpu.memory_space<hbm>>
      %dma_start3A_27 = tpu.memref_squeeze %dma_start3A_26 : memref<1x624x64xf32, #tpu.memory_space<hbm>> -> memref<624x64xf32, #tpu.memory_space<hbm>>
      tpu.enqueue_dma source(%arg7 : memref<624x64xf32, #tpu.memory_space<vmem>>) target(%dma_start3A_27 : memref<624x64xf32, #tpu.memory_space<hbm>>) target_semaphore(%run_scoped3A : memref<!tpu.dma_semaphore, #tpu.memory_space<semaphore_mem>>)
      %dma_wait3A = arith.constant 0 : i32
      %dma_wait3A_28 = tpu.memref_slice %arg5[%arg0, %mul3A_17, %dma_wait3A] : memref<2x10000x64xf32, #tpu.memory_space<hbm>> -> memref<1x624x64xf32, #tpu.memory_space<hbm>>
      %dma_wait3A_29 = tpu.memref_squeeze %dma_wait3A_28 : memref<1x624x64xf32, #tpu.memory_space<hbm>> -> memref<624x64xf32, #tpu.memory_space<hbm>>
      %dma_wait3A_30 = arith.constant 0 : i32
      %dma_wait3A_31 = tpu.memref_slice %arg5[%arg0, %mul3A_17, %dma_wait3A_30] : memref<2x10000x64xf32, #tpu.memory_space<hbm>> -> memref<1x624x64xf32, #tpu.memory_space<hbm>>
      %dma_wait3A_32 = tpu.memref_squeeze %dma_wait3A_31 : memref<1x624x64xf32, #tpu.memory_space<hbm>> -> memref<624x64xf32, #tpu.memory_space<hbm>>
      tpu.wait_dma2 semaphore(%run_scoped3A : memref<!tpu.dma_semaphore, #tpu.memory_space<semaphore_mem>>) src(%arg7 : memref<624x64xf32, #tpu.memory_space<vmem>>) dst(%dma_wait3A_32 : memref<624x64xf32, #tpu.memory_space<hbm>>)
      tpu.yield
    }) : () -> ()
    %eq3A_18 = arith.constant 15 : i32
    %eq3A_19 = arith.cmpi eq, %arg1, %eq3A_18 : i32
    %convert_element_type3A_20 = arith.extui %eq3A_19 : i1 to i32
    %cond3A_21 = arith.constant 0 : i32
    %cond3A_22 = arith.cmpi ne, %convert_element_type3A_20, %cond3A_21 : i32
    scf.if %cond3A_22 {
      "tpu.region"() ({
        %run_scoped3A = tpu.sem_alloc : memref<!tpu.dma_semaphore, #tpu.memory_space<semaphore_mem>>
        %dma_start3A = arith.constant 0 : i32
        %dma_start3A_23 = arith.constant 0 : i32
        %dma_start3A_24 = tpu.memref_slice %arg7[%dma_start3A, %dma_start3A_23] : memref<624x64xf32, #tpu.memory_space<vmem>> -> memref<16x64xf32, #tpu.memory_space<vmem>>
        %dma_start3A_25 = arith.constant 9984 : i32
        %dma_start3A_26 = arith.constant 0 : i32
        %dma_start3A_27 = tpu.memref_slice %arg6[%dma_start3A_25, %dma_start3A_26] : memref<10000x64xf32, #tpu.memory_space<vmem_shared>> -> memref<16x64xf32, #tpu.memory_space<vmem_shared>>
        %dma_start3A_28 = arith.constant 0 : i32
        %dma_start3A_29 = arith.constant 0 : i32
        %dma_start3A_30 = tpu.memref_slice %arg7[%dma_start3A_28, %dma_start3A_29] : memref<624x64xf32, #tpu.memory_space<vmem>> -> memref<16x64xf32, #tpu.memory_space<vmem>>
        %dma_start3A_31 = arith.constant 9984 : i32
        %dma_start3A_32 = arith.constant 0 : i32
        %dma_start3A_33 = tpu.memref_slice %arg6[%dma_start3A_31, %dma_start3A_32] : memref<10000x64xf32, #tpu.memory_space<vmem_shared>> -> memref<16x64xf32, #tpu.memory_space<vmem_shared>>
        tpu.enqueue_dma source(%dma_start3A_33 : memref<16x64xf32, #tpu.memory_space<vmem_shared>>) target(%dma_start3A_30 : memref<16x64xf32, #tpu.memory_space<vmem>>) target_semaphore(%run_scoped3A : memref<!tpu.dma_semaphore, #tpu.memory_space<semaphore_mem>>)
        %dma_wait3A = arith.constant 0 : i32
        %dma_wait3A_34 = arith.constant 0 : i32
        %dma_wait3A_35 = tpu.memref_slice %arg7[%dma_wait3A, %dma_wait3A_34] : memref<624x64xf32, #tpu.memory_space<vmem>> -> memref<16x64xf32, #tpu.memory_space<vmem>>
        %dma_wait3A_36 = arith.constant 9984 : i32
        %dma_wait3A_37 = arith.constant 0 : i32
        %dma_wait3A_38 = tpu.memref_slice %arg6[%dma_wait3A_36, %dma_wait3A_37] : memref<10000x64xf32, #tpu.memory_space<vmem_shared>> -> memref<16x64xf32, #tpu.memory_space<vmem_shared>>
        %dma_wait3A_39 = arith.constant 0 : i32
        %dma_wait3A_40 = arith.constant 0 : i32
        %dma_wait3A_41 = tpu.memref_slice %arg7[%dma_wait3A_39, %dma_wait3A_40] : memref<624x64xf32, #tpu.memory_space<vmem>> -> memref<16x64xf32, #tpu.memory_space<vmem>>
        %dma_wait3A_42 = arith.constant 9984 : i32
        %dma_wait3A_43 = arith.constant 0 : i32
        %dma_wait3A_44 = tpu.memref_slice %arg6[%dma_wait3A_42, %dma_wait3A_43] : memref<10000x64xf32, #tpu.memory_space<vmem_shared>> -> memref<16x64xf32, #tpu.memory_space<vmem_shared>>
        tpu.wait_dma2 semaphore(%run_scoped3A : memref<!tpu.dma_semaphore, #tpu.memory_space<semaphore_mem>>) src(%dma_wait3A_44 : memref<16x64xf32, #tpu.memory_space<vmem_shared>>) dst(%dma_wait3A_41 : memref<16x64xf32, #tpu.memory_space<vmem>>)
        tpu.yield
      }) : () -> ()
      "tpu.region"() ({
        %run_scoped3A = tpu.sem_alloc : memref<!tpu.dma_semaphore, #tpu.memory_space<semaphore_mem>>
        %dma_start3A = arith.constant 0 : i32
        %dma_start3A_23 = arith.constant 0 : i32
        %dma_start3A_24 = tpu.memref_slice %arg7[%dma_start3A, %dma_start3A_23] : memref<624x64xf32, #tpu.memory_space<vmem>> -> memref<16x64xf32, #tpu.memory_space<vmem>>
        %dma_start3A_25 = arith.constant 9984 : i32
        %dma_start3A_26 = arith.constant 0 : i32
        %dma_start3A_27 = tpu.memref_slice %arg5[%arg0, %dma_start3A_25, %dma_start3A_26] : memref<2x10000x64xf32, #tpu.memory_space<hbm>> -> memref<1x16x64xf32, #tpu.memory_space<hbm>>
        %dma_start3A_28 = tpu.memref_squeeze %dma_start3A_27 : memref<1x16x64xf32, #tpu.memory_space<hbm>> -> memref<16x64xf32, #tpu.memory_space<hbm>>
        %dma_start3A_29 = arith.constant 9984 : i32
        %dma_start3A_30 = arith.constant 0 : i32
        %dma_start3A_31 = tpu.memref_slice %arg5[%arg0, %dma_start3A_29, %dma_start3A_30] : memref<2x10000x64xf32, #tpu.memory_space<hbm>> -> memref<1x16x64xf32, #tpu.memory_space<hbm>>
        %dma_start3A_32 = tpu.memref_squeeze %dma_start3A_31 : memref<1x16x64xf32, #tpu.memory_space<hbm>> -> memref<16x64xf32, #tpu.memory_space<hbm>>
        %dma_start3A_33 = arith.constant 0 : i32
        %dma_start3A_34 = arith.constant 0 : i32
        %dma_start3A_35 = tpu.memref_slice %arg7[%dma_start3A_33, %dma_start3A_34] : memref<624x64xf32, #tpu.memory_space<vmem>> -> memref<16x64xf32, #tpu.memory_space<vmem>>
        tpu.enqueue_dma source(%dma_start3A_35 : memref<16x64xf32, #tpu.memory_space<vmem>>) target(%dma_start3A_32 : memref<16x64xf32, #tpu.memory_space<hbm>>) target_semaphore(%run_scoped3A : memref<!tpu.dma_semaphore, #tpu.memory_space<semaphore_mem>>)
        %dma_wait3A = arith.constant 0 : i32
        %dma_wait3A_36 = arith.constant 0 : i32
        %dma_wait3A_37 = tpu.memref_slice %arg7[%dma_wait3A, %dma_wait3A_36] : memref<624x64xf32, #tpu.memory_space<vmem>> -> memref<16x64xf32, #tpu.memory_space<vmem>>
        %dma_wait3A_38 = arith.constant 9984 : i32
        %dma_wait3A_39 = arith.constant 0 : i32
        %dma_wait3A_40 = tpu.memref_slice %arg5[%arg0, %dma_wait3A_38, %dma_wait3A_39] : memref<2x10000x64xf32, #tpu.memory_space<hbm>> -> memref<1x16x64xf32, #tpu.memory_space<hbm>>
        %dma_wait3A_41 = tpu.memref_squeeze %dma_wait3A_40 : memref<1x16x64xf32, #tpu.memory_space<hbm>> -> memref<16x64xf32, #tpu.memory_space<hbm>>
        %dma_wait3A_42 = arith.constant 9984 : i32
        %dma_wait3A_43 = arith.constant 0 : i32
        %dma_wait3A_44 = tpu.memref_slice %arg5[%arg0, %dma_wait3A_42, %dma_wait3A_43] : memref<2x10000x64xf32, #tpu.memory_space<hbm>> -> memref<1x16x64xf32, #tpu.memory_space<hbm>>
        %dma_wait3A_45 = tpu.memref_squeeze %dma_wait3A_44 : memref<1x16x64xf32, #tpu.memory_space<hbm>> -> memref<16x64xf32, #tpu.memory_space<hbm>>
        %dma_wait3A_46 = arith.constant 0 : i32
        %dma_wait3A_47 = arith.constant 0 : i32
        %dma_wait3A_48 = tpu.memref_slice %arg7[%dma_wait3A_46, %dma_wait3A_47] : memref<624x64xf32, #tpu.memory_space<vmem>> -> memref<16x64xf32, #tpu.memory_space<vmem>>
        tpu.wait_dma2 semaphore(%run_scoped3A : memref<!tpu.dma_semaphore, #tpu.memory_space<semaphore_mem>>) src(%dma_wait3A_48 : memref<16x64xf32, #tpu.memory_space<vmem>>) dst(%dma_wait3A_45 : memref<16x64xf32, #tpu.memory_space<hbm>>)
        tpu.yield
      }) : () -> ()
    } else {
    }
    return
  }
}

#map = affine_map<(d0, d1) -> (0, 0, 0)>
#map1 = affine_map<(d0, d1) -> (0)>
module attributes {stable_mosaic.version = 14 : i64} {
  func.func @deg_kernel(%arg0: i32, %arg1: i32, %arg2: memref<32x125x80xi32, #tpu.memory_space<hbm>>, %arg3: memref<20224xf32, #tpu.memory_space<hbm>>, %arg4: memref<10112xf32, #tpu.memory_space<vmem_shared>>, %arg5: memref<632xf32, #tpu.memory_space<vmem>>, %arg6: memref<80xf32, #tpu.memory_space<vmem>>, %arg7: memref<80xi32, #tpu.memory_space<vmem>>, %arg8: memref<80xi32, #tpu.memory_space<vmem>>, %arg9: memref<80xi32, #tpu.memory_space<vmem>>, %arg10: memref<80xi32, #tpu.memory_space<vmem>>, %arg11: memref<80xi32, #tpu.memory_space<vmem>>, %arg12: memref<!tpu.dma_semaphore, #tpu.memory_space<semaphore_mem>>, %arg13: memref<!tpu.dma_semaphore, #tpu.memory_space<semaphore_mem>>, %arg14: memref<!tpu.dma_semaphore, #tpu.memory_space<semaphore_mem>>, %arg15: memref<!tpu.dma_semaphore, #tpu.memory_space<semaphore_mem>>, %arg16: memref<!tpu.dma_semaphore, #tpu.memory_space<semaphore_mem>>) attributes {dimension_semantics = [#tpu.dimension_semantics<core_parallel>, #tpu.dimension_semantics<subcore_parallel>], iteration_bounds = array<i64: 2, 16>, scalar_prefetch = 0 : i64, scratch_operands = 13 : i64, tpu.core_type = #tpu.core_type<sc_vector_subcore>, window_params = [{transform_indices = #map}, {transform_indices = #map1}]} {
    %mul3A = arith.constant 16 : i32
    %mul3A_0 = arith.muli %arg0, %mul3A : i32
    %add3A = arith.addi %mul3A_0, %arg1 : i32
    %scan3A = arith.constant 0 : i32
    %scan3A_1 = arith.constant 0 : i32
    %scan3A_2 = arith.constant 39 : i32
    %scan3A_3 = arith.addi %scan3A_1, %scan3A_2 : i32
    %scan3A_4 = arith.constant 1 : i32
    %scan3A_5 = scf.for %scan3A_31 = %scan3A_1 to %scan3A_3 step %scan3A_4 iter_args(%scan3A_32 = %scan3A) -> (i32)  : i32 {
      %broadcast_in_dim3A = arith.constant 0.000000e+00 : f32
      %broadcast_in_dim3A_33 = vector.broadcast %broadcast_in_dim3A : f32 to vector<16xf32>
      %mul3A_34 = arith.constant 16 : i32
      %mul3A_35 = arith.muli %scan3A_31, %mul3A_34 : i32
      %swap3A = arith.index_cast %mul3A_35 : i32 to index
      %swap3A_36 = tpu.vector_load %arg5[%swap3A] {strides = array<i32>} : memref<632xf32, #tpu.memory_space<vmem>>, vector<16xf32>,
      %swap3A_37 = vector.shape_cast %swap3A_36 : vector<16xf32> to vector<16xf32>
      %swap3A_38 = vector.shape_cast %broadcast_in_dim3A_33 : vector<16xf32> to vector<16xf32>
      tpu.vector_store %arg5[%swap3A], %swap3A_38 {strides = array<i32>} : memref<632xf32, #tpu.memory_space<vmem>>, vector<16xf32>,
      %scan3A_39 = arith.constant 0 : i32
      scf.yield %scan3A_39 : i32
    }
    %scan3A_6 = arith.constant 39 : i32
    %scan3A_7 = arith.constant 0 : i32
    %scan3A_8 = arith.constant 0 : i32
    %scan3A_9 = arith.constant 5 : i32
    %scan3A_10 = arith.addi %scan3A_8, %scan3A_9 : i32
    %scan3A_11 = arith.constant 1 : i32
    %scan3A_12 = scf.for %scan3A_31 = %scan3A_8 to %scan3A_10 step %scan3A_11 iter_args(%scan3A_32 = %scan3A_7) -> (i32)  : i32 {
      %broadcast_in_dim3A = arith.constant 1.000000e+00 : f32
      %broadcast_in_dim3A_33 = vector.broadcast %broadcast_in_dim3A : f32 to vector<16xf32>
      %mul3A_34 = arith.constant 16 : i32
      %mul3A_35 = arith.muli %scan3A_31, %mul3A_34 : i32
      %swap3A = arith.index_cast %mul3A_35 : i32 to index
      %swap3A_36 = tpu.vector_load %arg6[%swap3A] {strides = array<i32>} : memref<80xf32, #tpu.memory_space<vmem>>, vector<16xf32>,
      %swap3A_37 = vector.shape_cast %swap3A_36 : vector<16xf32> to vector<16xf32>
      %swap3A_38 = vector.shape_cast %broadcast_in_dim3A_33 : vector<16xf32> to vector<16xf32>
      tpu.vector_store %arg6[%swap3A], %swap3A_38 {strides = array<i32>} : memref<80xf32, #tpu.memory_space<vmem>>, vector<16xf32>,
      %scan3A_39 = arith.constant 0 : i32
      scf.yield %scan3A_39 : i32
    }
    %scan3A_13 = arith.constant 5 : i32
    %mul3A_14 = arith.constant 632 : i32
    %mul3A_15 = arith.muli %arg1, %mul3A_14 : i32
    "tpu.region"() ({
      %run_scoped3A = tpu.sem_alloc : memref<!tpu.dma_semaphore, #tpu.memory_space<semaphore_mem>>
      %dma_start3A = tpu.memref_slice %arg4[%mul3A_15] : memref<10112xf32, #tpu.memory_space<vmem_shared>> -> memref<632xf32, #tpu.memory_space<vmem_shared>>
      %dma_start3A_31 = tpu.memref_slice %arg4[%mul3A_15] : memref<10112xf32, #tpu.memory_space<vmem_shared>> -> memref<632xf32, #tpu.memory_space<vmem_shared>>
      tpu.enqueue_dma source(%arg5 : memref<632xf32, #tpu.memory_space<vmem>>) target(%dma_start3A_31 : memref<632xf32, #tpu.memory_space<vmem_shared>>) target_semaphore(%run_scoped3A : memref<!tpu.dma_semaphore, #tpu.memory_space<semaphore_mem>>)
      %dma_wait3A = tpu.memref_slice %arg4[%mul3A_15] : memref<10112xf32, #tpu.memory_space<vmem_shared>> -> memref<632xf32, #tpu.memory_space<vmem_shared>>
      %dma_wait3A_32 = tpu.memref_slice %arg4[%mul3A_15] : memref<10112xf32, #tpu.memory_space<vmem_shared>> -> memref<632xf32, #tpu.memory_space<vmem_shared>>
      tpu.wait_dma2 semaphore(%run_scoped3A : memref<!tpu.dma_semaphore, #tpu.memory_space<semaphore_mem>>) src(%arg5 : memref<632xf32, #tpu.memory_space<vmem>>) dst(%dma_wait3A_32 : memref<632xf32, #tpu.memory_space<vmem_shared>>)
      tpu.yield
    }) : () -> ()
    %barrier3A = arith.constant 0 : index
    tpu.barrier barrier_id(%barrier3A)
    %scan3A_16 = arith.constant 0 : i32
    %scan3A_17 = arith.constant 0 : i32
    %scan3A_18 = arith.constant 125 : i32
    %scan3A_19 = arith.addi %scan3A_17, %scan3A_18 : i32
    %scan3A_20 = arith.constant 1 : i32
    %scan3A_21 = scf.for %scan3A_31 = %scan3A_17 to %scan3A_19 step %scan3A_20 iter_args(%scan3A_32 = %scan3A_16) -> (i32)  : i32 {
      "tpu.region"() ({
        %run_scoped3A = tpu.sem_alloc : memref<!tpu.dma_semaphore, #tpu.memory_space<semaphore_mem>>
        %dma_start3A = arith.constant 0 : i32
        %dma_start3A_34 = tpu.memref_slice %arg2[%add3A, %scan3A_31, %dma_start3A] : memref<32x125x80xi32, #tpu.memory_space<hbm>> -> memref<1x1x80xi32, #tpu.memory_space<hbm>>
        %dma_start3A_35 = tpu.memref_squeeze %dma_start3A_34 : memref<1x1x80xi32, #tpu.memory_space<hbm>> -> memref<80xi32, #tpu.memory_space<hbm>>
        %dma_start3A_36 = arith.constant 0 : i32
        %dma_start3A_37 = tpu.memref_slice %arg2[%add3A, %scan3A_31, %dma_start3A_36] : memref<32x125x80xi32, #tpu.memory_space<hbm>> -> memref<1x1x80xi32, #tpu.memory_space<hbm>>
        %dma_start3A_38 = tpu.memref_squeeze %dma_start3A_37 : memref<1x1x80xi32, #tpu.memory_space<hbm>> -> memref<80xi32, #tpu.memory_space<hbm>>
        tpu.enqueue_dma source(%dma_start3A_38 : memref<80xi32, #tpu.memory_space<hbm>>) target(%arg7 : memref<80xi32, #tpu.memory_space<vmem>>) target_semaphore(%run_scoped3A : memref<!tpu.dma_semaphore, #tpu.memory_space<semaphore_mem>>)
        %dma_wait3A = arith.constant 0 : i32
        %dma_wait3A_39 = tpu.memref_slice %arg2[%add3A, %scan3A_31, %dma_wait3A] : memref<32x125x80xi32, #tpu.memory_space<hbm>> -> memref<1x1x80xi32, #tpu.memory_space<hbm>>
        %dma_wait3A_40 = tpu.memref_squeeze %dma_wait3A_39 : memref<1x1x80xi32, #tpu.memory_space<hbm>> -> memref<80xi32, #tpu.memory_space<hbm>>
        %dma_wait3A_41 = arith.constant 0 : i32
        %dma_wait3A_42 = tpu.memref_slice %arg2[%add3A, %scan3A_31, %dma_wait3A_41] : memref<32x125x80xi32, #tpu.memory_space<hbm>> -> memref<1x1x80xi32, #tpu.memory_space<hbm>>
        %dma_wait3A_43 = tpu.memref_squeeze %dma_wait3A_42 : memref<1x1x80xi32, #tpu.memory_space<hbm>> -> memref<80xi32, #tpu.memory_space<hbm>>
        tpu.wait_dma2 semaphore(%run_scoped3A : memref<!tpu.dma_semaphore, #tpu.memory_space<semaphore_mem>>) src(%dma_wait3A_43 : memref<80xi32, #tpu.memory_space<hbm>>) dst(%arg7 : memref<80xi32, #tpu.memory_space<vmem>>)
        tpu.yield
      }) : () -> ()
      "tpu.region"() ({
        %run_scoped3A = tpu.sem_alloc : memref<!tpu.dma_semaphore, #tpu.memory_space<semaphore_mem>>
        %dma_start3A = arith.constant 0 : i32
        %dma_start3A_34 = tpu.memref_slice %arg4[%dma_start3A] : memref<10112xf32, #tpu.memory_space<vmem_shared>> -> memref<10112xf32, #tpu.memory_space<vmem_shared>>
        tpu.enqueue_indirect_dma source(%arg6 : memref<80xf32, #tpu.memory_space<vmem>>) target(%dma_start3A_34 : memref<10112xf32, #tpu.memory_space<vmem_shared>>) offsets(%arg7 : memref<80xi32, #tpu.memory_space<vmem>>) semaphore(%run_scoped3A : memref<!tpu.dma_semaphore, #tpu.memory_space<semaphore_mem>>) {add = true}
        %dma_wait3A = arith.constant 0 : i32
        %dma_wait3A_35 = tpu.memref_slice %arg4[%dma_wait3A] : memref<10112xf32, #tpu.memory_space<vmem_shared>> -> memref<10112xf32, #tpu.memory_space<vmem_shared>>
        tpu.wait_indirect_dma semaphore(%run_scoped3A : memref<!tpu.dma_semaphore, #tpu.memory_space<semaphore_mem>>) src(%arg6 : memref<80xf32, #tpu.memory_space<vmem>>) dst(%dma_wait3A_35 : memref<10112xf32, #tpu.memory_space<vmem_shared>>)
        tpu.yield
      }) : () -> ()
      %scan3A_33 = arith.constant 0 : i32
      scf.yield %scan3A_33 : i32
    }
    %scan3A_22 = arith.constant 125 : i32
    %barrier3A_23 = arith.constant 0 : index
    tpu.barrier barrier_id(%barrier3A_23)
    %mul3A_24 = arith.constant 632 : i32
    %mul3A_25 = arith.muli %arg1, %mul3A_24 : i32
    "tpu.region"() ({
      %run_scoped3A = tpu.sem_alloc : memref<!tpu.dma_semaphore, #tpu.memory_space<semaphore_mem>>
      %dma_start3A = tpu.memref_slice %arg4[%mul3A_25] : memref<10112xf32, #tpu.memory_space<vmem_shared>> -> memref<632xf32, #tpu.memory_space<vmem_shared>>
      %dma_start3A_31 = tpu.memref_slice %arg4[%mul3A_25] : memref<10112xf32, #tpu.memory_space<vmem_shared>> -> memref<632xf32, #tpu.memory_space<vmem_shared>>
      tpu.enqueue_dma source(%dma_start3A_31 : memref<632xf32, #tpu.memory_space<vmem_shared>>) target(%arg5 : memref<632xf32, #tpu.memory_space<vmem>>) target_semaphore(%run_scoped3A : memref<!tpu.dma_semaphore, #tpu.memory_space<semaphore_mem>>)
      %dma_wait3A = tpu.memref_slice %arg4[%mul3A_25] : memref<10112xf32, #tpu.memory_space<vmem_shared>> -> memref<632xf32, #tpu.memory_space<vmem_shared>>
      %dma_wait3A_32 = tpu.memref_slice %arg4[%mul3A_25] : memref<10112xf32, #tpu.memory_space<vmem_shared>> -> memref<632xf32, #tpu.memory_space<vmem_shared>>
      tpu.wait_dma2 semaphore(%run_scoped3A : memref<!tpu.dma_semaphore, #tpu.memory_space<semaphore_mem>>) src(%dma_wait3A_32 : memref<632xf32, #tpu.memory_space<vmem_shared>>) dst(%arg5 : memref<632xf32, #tpu.memory_space<vmem>>)
      tpu.yield
    }) : () -> ()
    %mul3A_26 = arith.constant 10112 : i32
    %mul3A_27 = arith.muli %arg0, %mul3A_26 : i32
    %mul3A_28 = arith.constant 632 : i32
    %mul3A_29 = arith.muli %arg1, %mul3A_28 : i32
    %add3A_30 = arith.addi %mul3A_27, %mul3A_29 : i32
    "tpu.region"() ({
      %run_scoped3A = tpu.sem_alloc : memref<!tpu.dma_semaphore, #tpu.memory_space<semaphore_mem>>
      %dma_start3A = tpu.memref_slice %arg3[%add3A_30] : memref<20224xf32, #tpu.memory_space<hbm>> -> memref<632xf32, #tpu.memory_space<hbm>>
      %dma_start3A_31 = tpu.memref_slice %arg3[%add3A_30] : memref<20224xf32, #tpu.memory_space<hbm>> -> memref<632xf32, #tpu.memory_space<hbm>>
      tpu.enqueue_dma source(%arg5 : memref<632xf32, #tpu.memory_space<vmem>>) target(%dma_start3A_31 : memref<632xf32, #tpu.memory_space<hbm>>) target_semaphore(%run_scoped3A : memref<!tpu.dma_semaphore, #tpu.memory_space<semaphore_mem>>)
      %dma_wait3A = tpu.memref_slice %arg3[%add3A_30] : memref<20224xf32, #tpu.memory_space<hbm>> -> memref<632xf32, #tpu.memory_space<hbm>>
      %dma_wait3A_32 = tpu.memref_slice %arg3[%add3A_30] : memref<20224xf32, #tpu.memory_space<hbm>> -> memref<632xf32, #tpu.memory_space<hbm>>
      tpu.wait_dma2 semaphore(%run_scoped3A : memref<!tpu.dma_semaphore, #tpu.memory_space<semaphore_mem>>) src(%arg5 : memref<632xf32, #tpu.memory_space<vmem>>) dst(%dma_wait3A_32 : memref<632xf32, #tpu.memory_space<hbm>>)
      tpu.yield
    }) : () -> ()
    return
  }
}

#map = affine_map<(d0, d1) -> (0, 0)>
#map1 = affine_map<(d0, d1) -> (0, 0, 0)>
module attributes {stable_mosaic.version = 14 : i64} {
  func.func @agg_kernel(%arg0: i32, %arg1: i32, %arg2: memref<10000x64xf32, #tpu.memory_space<hbm>>, %arg3: memref<32x125x80xi32, #tpu.memory_space<hbm>>, %arg4: memref<32x125x80xi32, #tpu.memory_space<hbm>>, %arg5: memref<2x10000x64xf32, #tpu.memory_space<hbm>>, %arg6: memref<10000x64xf32, #tpu.memory_space<vmem_shared>>, %arg7: memref<624x64xf32, #tpu.memory_space<vmem>>, %arg8: memref<80x64xf32, #tpu.memory_space<vmem>>, %arg9: memref<80x64xf32, #tpu.memory_space<vmem>>, %arg10: memref<80x64xf32, #tpu.memory_space<vmem>>, %arg11: memref<80x64xf32, #tpu.memory_space<vmem>>, %arg12: memref<80x64xf32, #tpu.memory_space<vmem>>, %arg13: memref<80xi32, #tpu.memory_space<vmem>>, %arg14: memref<80xi32, #tpu.memory_space<vmem>>, %arg15: memref<80xi32, #tpu.memory_space<vmem>>, %arg16: memref<80xi32, #tpu.memory_space<vmem>>, %arg17: memref<80xi32, #tpu.memory_space<vmem>>, %arg18: memref<80xi32, #tpu.memory_space<vmem>>, %arg19: memref<80xi32, #tpu.memory_space<vmem>>, %arg20: memref<80xi32, #tpu.memory_space<vmem>>, %arg21: memref<80xi32, #tpu.memory_space<vmem>>, %arg22: memref<80xi32, #tpu.memory_space<vmem>>, %arg23: memref<!tpu.dma_semaphore, #tpu.memory_space<semaphore_mem>>, %arg24: memref<!tpu.dma_semaphore, #tpu.memory_space<semaphore_mem>>, %arg25: memref<!tpu.dma_semaphore, #tpu.memory_space<semaphore_mem>>, %arg26: memref<!tpu.dma_semaphore, #tpu.memory_space<semaphore_mem>>, %arg27: memref<!tpu.dma_semaphore, #tpu.memory_space<semaphore_mem>>, %arg28: memref<!tpu.dma_semaphore, #tpu.memory_space<semaphore_mem>>, %arg29: memref<!tpu.dma_semaphore, #tpu.memory_space<semaphore_mem>>, %arg30: memref<!tpu.dma_semaphore, #tpu.memory_space<semaphore_mem>>, %arg31: memref<!tpu.dma_semaphore, #tpu.memory_space<semaphore_mem>>, %arg32: memref<!tpu.dma_semaphore, #tpu.memory_space<semaphore_mem>>, %arg33: memref<!tpu.dma_semaphore, #tpu.memory_space<semaphore_mem>>, %arg34: memref<!tpu.dma_semaphore, #tpu.memory_space<semaphore_mem>>, %arg35: memref<!tpu.dma_semaphore, #tpu.memory_space<semaphore_mem>>, %arg36: memref<!tpu.dma_semaphore, #tpu.memory_space<semaphore_mem>>, %arg37: memref<!tpu.dma_semaphore, #tpu.memory_space<semaphore_mem>>) attributes {dimension_semantics = [#tpu.dimension_semantics<core_parallel>, #tpu.dimension_semantics<subcore_parallel>], iteration_bounds = array<i64: 2, 16>, scalar_prefetch = 0 : i64, scratch_operands = 32 : i64, tpu.core_type = #tpu.core_type<sc_vector_subcore>, window_params = [{transform_indices = #map}, {transform_indices = #map1}, {transform_indices = #map1}, {transform_indices = #map1}]} {
    %mul3A = arith.constant 16 : i32
    %mul3A_0 = arith.muli %arg0, %mul3A : i32
    %add3A = arith.addi %mul3A_0, %arg1 : i32
    %mul3A_1 = arith.constant 624 : i32
    %mul3A_2 = arith.muli %arg1, %mul3A_1 : i32
    "tpu.region"() ({
      %run_scoped3A = tpu.sem_alloc : memref<!tpu.dma_semaphore, #tpu.memory_space<semaphore_mem>>
      %dma_start3A = arith.constant 0 : i32
      %dma_start3A_23 = tpu.memref_slice %arg2[%mul3A_2, %dma_start3A] : memref<10000x64xf32, #tpu.memory_space<hbm>> -> memref<624x64xf32, #tpu.memory_space<hbm>>
      %dma_start3A_24 = arith.constant 0 : i32
      %dma_start3A_25 = tpu.memref_slice %arg2[%mul3A_2, %dma_start3A_24] : memref<10000x64xf32, #tpu.memory_space<hbm>> -> memref<624x64xf32, #tpu.memory_space<hbm>>
      tpu.enqueue_dma source(%dma_start3A_25 : memref<624x64xf32, #tpu.memory_space<hbm>>) target(%arg7 : memref<624x64xf32, #tpu.memory_space<vmem>>) target_semaphore(%run_scoped3A : memref<!tpu.dma_semaphore, #tpu.memory_space<semaphore_mem>>)
      %dma_wait3A = arith.constant 0 : i32
      %dma_wait3A_26 = tpu.memref_slice %arg2[%mul3A_2, %dma_wait3A] : memref<10000x64xf32, #tpu.memory_space<hbm>> -> memref<624x64xf32, #tpu.memory_space<hbm>>
      %dma_wait3A_27 = arith.constant 0 : i32
      %dma_wait3A_28 = tpu.memref_slice %arg2[%mul3A_2, %dma_wait3A_27] : memref<10000x64xf32, #tpu.memory_space<hbm>> -> memref<624x64xf32, #tpu.memory_space<hbm>>
      tpu.wait_dma2 semaphore(%run_scoped3A : memref<!tpu.dma_semaphore, #tpu.memory_space<semaphore_mem>>) src(%dma_wait3A_28 : memref<624x64xf32, #tpu.memory_space<hbm>>) dst(%arg7 : memref<624x64xf32, #tpu.memory_space<vmem>>)
      tpu.yield
    }) : () -> ()
    %mul3A_3 = arith.constant 624 : i32
    %mul3A_4 = arith.muli %arg1, %mul3A_3 : i32
    "tpu.region"() ({
      %run_scoped3A = tpu.sem_alloc : memref<!tpu.dma_semaphore, #tpu.memory_space<semaphore_mem>>
      %dma_start3A = arith.constant 0 : i32
      %dma_start3A_23 = tpu.memref_slice %arg6[%mul3A_4, %dma_start3A] : memref<10000x64xf32, #tpu.memory_space<vmem_shared>> -> memref<624x64xf32, #tpu.memory_space<vmem_shared>>
      %dma_start3A_24 = arith.constant 0 : i32
      %dma_start3A_25 = tpu.memref_slice %arg6[%mul3A_4, %dma_start3A_24] : memref<10000x64xf32, #tpu.memory_space<vmem_shared>> -> memref<624x64xf32, #tpu.memory_space<vmem_shared>>
      tpu.enqueue_dma source(%arg7 : memref<624x64xf32, #tpu.memory_space<vmem>>) target(%dma_start3A_25 : memref<624x64xf32, #tpu.memory_space<vmem_shared>>) target_semaphore(%run_scoped3A : memref<!tpu.dma_semaphore, #tpu.memory_space<semaphore_mem>>)
      %dma_wait3A = arith.constant 0 : i32
      %dma_wait3A_26 = tpu.memref_slice %arg6[%mul3A_4, %dma_wait3A] : memref<10000x64xf32, #tpu.memory_space<vmem_shared>> -> memref<624x64xf32, #tpu.memory_space<vmem_shared>>
      %dma_wait3A_27 = arith.constant 0 : i32
      %dma_wait3A_28 = tpu.memref_slice %arg6[%mul3A_4, %dma_wait3A_27] : memref<10000x64xf32, #tpu.memory_space<vmem_shared>> -> memref<624x64xf32, #tpu.memory_space<vmem_shared>>
      tpu.wait_dma2 semaphore(%run_scoped3A : memref<!tpu.dma_semaphore, #tpu.memory_space<semaphore_mem>>) src(%arg7 : memref<624x64xf32, #tpu.memory_space<vmem>>) dst(%dma_wait3A_28 : memref<624x64xf32, #tpu.memory_space<vmem_shared>>)
      tpu.yield
    }) : () -> ()
    %eq3A = arith.constant 15 : i32
    %eq3A_5 = arith.cmpi eq, %arg1, %eq3A : i32
    %convert_element_type3A = arith.extui %eq3A_5 : i1 to i32
    %cond3A = arith.constant 0 : i32
    %cond3A_6 = arith.cmpi ne, %convert_element_type3A, %cond3A : i32
    scf.if %cond3A_6 {
      "tpu.region"() ({
        %run_scoped3A = tpu.sem_alloc : memref<!tpu.dma_semaphore, #tpu.memory_space<semaphore_mem>>
        %dma_start3A = arith.constant 0 : i32
        %dma_start3A_23 = arith.constant 0 : i32
        %dma_start3A_24 = tpu.memref_slice %arg7[%dma_start3A, %dma_start3A_23] : memref<624x64xf32, #tpu.memory_space<vmem>> -> memref<16x64xf32, #tpu.memory_space<vmem>>
        %dma_start3A_25 = arith.constant 9984 : i32
        %dma_start3A_26 = arith.constant 0 : i32
        %dma_start3A_27 = tpu.memref_slice %arg2[%dma_start3A_25, %dma_start3A_26] : memref<10000x64xf32, #tpu.memory_space<hbm>> -> memref<16x64xf32, #tpu.memory_space<hbm>>
        %dma_start3A_28 = arith.constant 0 : i32
        %dma_start3A_29 = arith.constant 0 : i32
        %dma_start3A_30 = tpu.memref_slice %arg7[%dma_start3A_28, %dma_start3A_29] : memref<624x64xf32, #tpu.memory_space<vmem>> -> memref<16x64xf32, #tpu.memory_space<vmem>>
        %dma_start3A_31 = arith.constant 9984 : i32
        %dma_start3A_32 = arith.constant 0 : i32
        %dma_start3A_33 = tpu.memref_slice %arg2[%dma_start3A_31, %dma_start3A_32] : memref<10000x64xf32, #tpu.memory_space<hbm>> -> memref<16x64xf32, #tpu.memory_space<hbm>>
        tpu.enqueue_dma source(%dma_start3A_33 : memref<16x64xf32, #tpu.memory_space<hbm>>) target(%dma_start3A_30 : memref<16x64xf32, #tpu.memory_space<vmem>>) target_semaphore(%run_scoped3A : memref<!tpu.dma_semaphore, #tpu.memory_space<semaphore_mem>>)
        %dma_wait3A = arith.constant 0 : i32
        %dma_wait3A_34 = arith.constant 0 : i32
        %dma_wait3A_35 = tpu.memref_slice %arg7[%dma_wait3A, %dma_wait3A_34] : memref<624x64xf32, #tpu.memory_space<vmem>> -> memref<16x64xf32, #tpu.memory_space<vmem>>
        %dma_wait3A_36 = arith.constant 9984 : i32
        %dma_wait3A_37 = arith.constant 0 : i32
        %dma_wait3A_38 = tpu.memref_slice %arg2[%dma_wait3A_36, %dma_wait3A_37] : memref<10000x64xf32, #tpu.memory_space<hbm>> -> memref<16x64xf32, #tpu.memory_space<hbm>>
        %dma_wait3A_39 = arith.constant 0 : i32
        %dma_wait3A_40 = arith.constant 0 : i32
        %dma_wait3A_41 = tpu.memref_slice %arg7[%dma_wait3A_39, %dma_wait3A_40] : memref<624x64xf32, #tpu.memory_space<vmem>> -> memref<16x64xf32, #tpu.memory_space<vmem>>
        %dma_wait3A_42 = arith.constant 9984 : i32
        %dma_wait3A_43 = arith.constant 0 : i32
        %dma_wait3A_44 = tpu.memref_slice %arg2[%dma_wait3A_42, %dma_wait3A_43] : memref<10000x64xf32, #tpu.memory_space<hbm>> -> memref<16x64xf32, #tpu.memory_space<hbm>>
        tpu.wait_dma2 semaphore(%run_scoped3A : memref<!tpu.dma_semaphore, #tpu.memory_space<semaphore_mem>>) src(%dma_wait3A_44 : memref<16x64xf32, #tpu.memory_space<hbm>>) dst(%dma_wait3A_41 : memref<16x64xf32, #tpu.memory_space<vmem>>)
        tpu.yield
      }) : () -> ()
      "tpu.region"() ({
        %run_scoped3A = tpu.sem_alloc : memref<!tpu.dma_semaphore, #tpu.memory_space<semaphore_mem>>
        %dma_start3A = arith.constant 0 : i32
        %dma_start3A_23 = arith.constant 0 : i32
        %dma_start3A_24 = tpu.memref_slice %arg7[%dma_start3A, %dma_start3A_23] : memref<624x64xf32, #tpu.memory_space<vmem>> -> memref<16x64xf32, #tpu.memory_space<vmem>>
        %dma_start3A_25 = arith.constant 9984 : i32
        %dma_start3A_26 = arith.constant 0 : i32
        %dma_start3A_27 = tpu.memref_slice %arg6[%dma_start3A_25, %dma_start3A_26] : memref<10000x64xf32, #tpu.memory_space<vmem_shared>> -> memref<16x64xf32, #tpu.memory_space<vmem_shared>>
        %dma_start3A_28 = arith.constant 9984 : i32
        %dma_start3A_29 = arith.constant 0 : i32
        %dma_start3A_30 = tpu.memref_slice %arg6[%dma_start3A_28, %dma_start3A_29] : memref<10000x64xf32, #tpu.memory_space<vmem_shared>> -> memref<16x64xf32, #tpu.memory_space<vmem_shared>>
        %dma_start3A_31 = arith.constant 0 : i32
        %dma_start3A_32 = arith.constant 0 : i32
        %dma_start3A_33 = tpu.memref_slice %arg7[%dma_start3A_31, %dma_start3A_32] : memref<624x64xf32, #tpu.memory_space<vmem>> -> memref<16x64xf32, #tpu.memory_space<vmem>>
        tpu.enqueue_dma source(%dma_start3A_33 : memref<16x64xf32, #tpu.memory_space<vmem>>) target(%dma_start3A_30 : memref<16x64xf32, #tpu.memory_space<vmem_shared>>) target_semaphore(%run_scoped3A : memref<!tpu.dma_semaphore, #tpu.memory_space<semaphore_mem>>)
        %dma_wait3A = arith.constant 0 : i32
        %dma_wait3A_34 = arith.constant 0 : i32
        %dma_wait3A_35 = tpu.memref_slice %arg7[%dma_wait3A, %dma_wait3A_34] : memref<624x64xf32, #tpu.memory_space<vmem>> -> memref<16x64xf32, #tpu.memory_space<vmem>>
        %dma_wait3A_36 = arith.constant 9984 : i32
        %dma_wait3A_37 = arith.constant 0 : i32
        %dma_wait3A_38 = tpu.memref_slice %arg6[%dma_wait3A_36, %dma_wait3A_37] : memref<10000x64xf32, #tpu.memory_space<vmem_shared>> -> memref<16x64xf32, #tpu.memory_space<vmem_shared>>
        %dma_wait3A_39 = arith.constant 9984 : i32
        %dma_wait3A_40 = arith.constant 0 : i32
        %dma_wait3A_41 = tpu.memref_slice %arg6[%dma_wait3A_39, %dma_wait3A_40] : memref<10000x64xf32, #tpu.memory_space<vmem_shared>> -> memref<16x64xf32, #tpu.memory_space<vmem_shared>>
        %dma_wait3A_42 = arith.constant 0 : i32
        %dma_wait3A_43 = arith.constant 0 : i32
        %dma_wait3A_44 = tpu.memref_slice %arg7[%dma_wait3A_42, %dma_wait3A_43] : memref<624x64xf32, #tpu.memory_space<vmem>> -> memref<16x64xf32, #tpu.memory_space<vmem>>
        tpu.wait_dma2 semaphore(%run_scoped3A : memref<!tpu.dma_semaphore, #tpu.memory_space<semaphore_mem>>) src(%dma_wait3A_44 : memref<16x64xf32, #tpu.memory_space<vmem>>) dst(%dma_wait3A_41 : memref<16x64xf32, #tpu.memory_space<vmem_shared>>)
        tpu.yield
      }) : () -> ()
    } else {
    }
    %barrier3A = arith.constant 0 : index
    tpu.barrier barrier_id(%barrier3A)
    %scan3A = arith.constant 0 : i32
    %scan3A_7 = arith.constant 0 : i32
    %scan3A_8 = arith.constant 125 : i32
    %scan3A_9 = arith.addi %scan3A_7, %scan3A_8 : i32
    %scan3A_10 = arith.constant 1 : i32
    %scan3A_11 = scf.for %scan3A_23 = %scan3A_7 to %scan3A_9 step %scan3A_10 iter_args(%scan3A_24 = %scan3A) -> (i32)  : i32 {
      "tpu.region"() ({
        %run_scoped3A = tpu.sem_alloc : memref<!tpu.dma_semaphore, #tpu.memory_space<semaphore_mem>>
        %dma_start3A_30 = arith.constant 0 : i32
        %dma_start3A_31 = tpu.memref_slice %arg3[%add3A, %scan3A_23, %dma_start3A_30] : memref<32x125x80xi32, #tpu.memory_space<hbm>> -> memref<1x1x80xi32, #tpu.memory_space<hbm>>
        %dma_start3A_32 = tpu.memref_squeeze %dma_start3A_31 : memref<1x1x80xi32, #tpu.memory_space<hbm>> -> memref<80xi32, #tpu.memory_space<hbm>>
        %dma_start3A_33 = arith.constant 0 : i32
        %dma_start3A_34 = tpu.memref_slice %arg3[%add3A, %scan3A_23, %dma_start3A_33] : memref<32x125x80xi32, #tpu.memory_space<hbm>> -> memref<1x1x80xi32, #tpu.memory_space<hbm>>
        %dma_start3A_35 = tpu.memref_squeeze %dma_start3A_34 : memref<1x1x80xi32, #tpu.memory_space<hbm>> -> memref<80xi32, #tpu.memory_space<hbm>>
        tpu.enqueue_dma source(%dma_start3A_35 : memref<80xi32, #tpu.memory_space<hbm>>) target(%arg13 : memref<80xi32, #tpu.memory_space<vmem>>) target_semaphore(%run_scoped3A : memref<!tpu.dma_semaphore, #tpu.memory_space<semaphore_mem>>)
        %dma_wait3A_36 = arith.constant 0 : i32
        %dma_wait3A_37 = tpu.memref_slice %arg3[%add3A, %scan3A_23, %dma_wait3A_36] : memref<32x125x80xi32, #tpu.memory_space<hbm>> -> memref<1x1x80xi32, #tpu.memory_space<hbm>>
        %dma_wait3A_38 = tpu.memref_squeeze %dma_wait3A_37 : memref<1x1x80xi32, #tpu.memory_space<hbm>> -> memref<80xi32, #tpu.memory_space<hbm>>
        %dma_wait3A_39 = arith.constant 0 : i32
        %dma_wait3A_40 = tpu.memref_slice %arg3[%add3A, %scan3A_23, %dma_wait3A_39] : memref<32x125x80xi32, #tpu.memory_space<hbm>> -> memref<1x1x80xi32, #tpu.memory_space<hbm>>
        %dma_wait3A_41 = tpu.memref_squeeze %dma_wait3A_40 : memref<1x1x80xi32, #tpu.memory_space<hbm>> -> memref<80xi32, #tpu.memory_space<hbm>>
        tpu.wait_dma2 semaphore(%run_scoped3A : memref<!tpu.dma_semaphore, #tpu.memory_space<semaphore_mem>>) src(%dma_wait3A_41 : memref<80xi32, #tpu.memory_space<hbm>>) dst(%arg13 : memref<80xi32, #tpu.memory_space<vmem>>)
        tpu.yield
      }) : () -> ()
      "tpu.region"() ({
        %run_scoped3A = tpu.sem_alloc : memref<!tpu.dma_semaphore, #tpu.memory_space<semaphore_mem>>
        %dma_start3A_30 = arith.constant 0 : i32
        %dma_start3A_31 = tpu.memref_slice %arg4[%add3A, %scan3A_23, %dma_start3A_30] : memref<32x125x80xi32, #tpu.memory_space<hbm>> -> memref<1x1x80xi32, #tpu.memory_space<hbm>>
        %dma_start3A_32 = tpu.memref_squeeze %dma_start3A_31 : memref<1x1x80xi32, #tpu.memory_space<hbm>> -> memref<80xi32, #tpu.memory_space<hbm>>
        %dma_start3A_33 = arith.constant 0 : i32
        %dma_start3A_34 = tpu.memref_slice %arg4[%add3A, %scan3A_23, %dma_start3A_33] : memref<32x125x80xi32, #tpu.memory_space<hbm>> -> memref<1x1x80xi32, #tpu.memory_space<hbm>>
        %dma_start3A_35 = tpu.memref_squeeze %dma_start3A_34 : memref<1x1x80xi32, #tpu.memory_space<hbm>> -> memref<80xi32, #tpu.memory_space<hbm>>
        tpu.enqueue_dma source(%dma_start3A_35 : memref<80xi32, #tpu.memory_space<hbm>>) target(%arg18 : memref<80xi32, #tpu.memory_space<vmem>>) target_semaphore(%run_scoped3A : memref<!tpu.dma_semaphore, #tpu.memory_space<semaphore_mem>>)
        %dma_wait3A_36 = arith.constant 0 : i32
        %dma_wait3A_37 = tpu.memref_slice %arg4[%add3A, %scan3A_23, %dma_wait3A_36] : memref<32x125x80xi32, #tpu.memory_space<hbm>> -> memref<1x1x80xi32, #tpu.memory_space<hbm>>
        %dma_wait3A_38 = tpu.memref_squeeze %dma_wait3A_37 : memref<1x1x80xi32, #tpu.memory_space<hbm>> -> memref<80xi32, #tpu.memory_space<hbm>>
        %dma_wait3A_39 = arith.constant 0 : i32
        %dma_wait3A_40 = tpu.memref_slice %arg4[%add3A, %scan3A_23, %dma_wait3A_39] : memref<32x125x80xi32, #tpu.memory_space<hbm>> -> memref<1x1x80xi32, #tpu.memory_space<hbm>>
        %dma_wait3A_41 = tpu.memref_squeeze %dma_wait3A_40 : memref<1x1x80xi32, #tpu.memory_space<hbm>> -> memref<80xi32, #tpu.memory_space<hbm>>
        tpu.wait_dma2 semaphore(%run_scoped3A : memref<!tpu.dma_semaphore, #tpu.memory_space<semaphore_mem>>) src(%dma_wait3A_41 : memref<80xi32, #tpu.memory_space<hbm>>) dst(%arg18 : memref<80xi32, #tpu.memory_space<vmem>>)
        tpu.yield
      }) : () -> ()
      %dma_start3A = arith.constant 0 : i32
      %dma_start3A_25 = arith.constant 0 : i32
      %dma_start3A_26 = tpu.memref_slice %arg2[%dma_start3A, %dma_start3A_25] : memref<10000x64xf32, #tpu.memory_space<hbm>> -> memref<10000x64xf32, #tpu.memory_space<hbm>>
      tpu.enqueue_indirect_dma source(%dma_start3A_26 : memref<10000x64xf32, #tpu.memory_space<hbm>>) target(%arg8 : memref<80x64xf32, #tpu.memory_space<vmem>>) offsets(%arg13 : memref<80xi32, #tpu.memory_space<vmem>>) semaphore(%arg23 : memref<!tpu.dma_semaphore, #tpu.memory_space<semaphore_mem>>)
      %dma_wait3A = arith.constant 0 : i32
      %dma_wait3A_27 = arith.constant 0 : i32
      %dma_wait3A_28 = tpu.memref_slice %arg2[%dma_wait3A, %dma_wait3A_27] : memref<10000x64xf32, #tpu.memory_space<hbm>> -> memref<10000x64xf32, #tpu.memory_space<hbm>>
      tpu.wait_indirect_dma semaphore(%arg23 : memref<!tpu.dma_semaphore, #tpu.memory_space<semaphore_mem>>) src(%dma_wait3A_28 : memref<10000x64xf32, #tpu.memory_space<hbm>>) dst(%arg8 : memref<80x64xf32, #tpu.memory_space<vmem>>)
      "tpu.region"() ({
        %run_scoped3A = tpu.sem_alloc : memref<!tpu.dma_semaphore, #tpu.memory_space<semaphore_mem>>
        %dma_start3A_30 = arith.constant 0 : i32
        %dma_start3A_31 = arith.constant 0 : i32
        %dma_start3A_32 = tpu.memref_slice %arg6[%dma_start3A_30, %dma_start3A_31] : memref<10000x64xf32, #tpu.memory_space<vmem_shared>> -> memref<10000x64xf32, #tpu.memory_space<vmem_shared>>
        tpu.enqueue_indirect_dma source(%arg8 : memref<80x64xf32, #tpu.memory_space<vmem>>) target(%dma_start3A_32 : memref<10000x64xf32, #tpu.memory_space<vmem_shared>>) offsets(%arg18 : memref<80xi32, #tpu.memory_space<vmem>>) semaphore(%run_scoped3A : memref<!tpu.dma_semaphore, #tpu.memory_space<semaphore_mem>>) {add = true}
        %dma_wait3A_33 = arith.constant 0 : i32
        %dma_wait3A_34 = arith.constant 0 : i32
        %dma_wait3A_35 = tpu.memref_slice %arg6[%dma_wait3A_33, %dma_wait3A_34] : memref<10000x64xf32, #tpu.memory_space<vmem_shared>> -> memref<10000x64xf32, #tpu.memory_space<vmem_shared>>
        tpu.wait_indirect_dma semaphore(%run_scoped3A : memref<!tpu.dma_semaphore, #tpu.memory_space<semaphore_mem>>) src(%arg8 : memref<80x64xf32, #tpu.memory_space<vmem>>) dst(%dma_wait3A_35 : memref<10000x64xf32, #tpu.memory_space<vmem_shared>>)
        tpu.yield
      }) : () -> ()
      %scan3A_29 = arith.constant 0 : i32
      scf.yield %scan3A_29 : i32
    }
    %scan3A_12 = arith.constant 125 : i32
    %barrier3A_13 = arith.constant 0 : index
    tpu.barrier barrier_id(%barrier3A_13)
    %mul3A_14 = arith.constant 624 : i32
    %mul3A_15 = arith.muli %arg1, %mul3A_14 : i32
    "tpu.region"() ({
      %run_scoped3A = tpu.sem_alloc : memref<!tpu.dma_semaphore, #tpu.memory_space<semaphore_mem>>
      %dma_start3A = arith.constant 0 : i32
      %dma_start3A_23 = tpu.memref_slice %arg6[%mul3A_15, %dma_start3A] : memref<10000x64xf32, #tpu.memory_space<vmem_shared>> -> memref<624x64xf32, #tpu.memory_space<vmem_shared>>
      %dma_start3A_24 = arith.constant 0 : i32
      %dma_start3A_25 = tpu.memref_slice %arg6[%mul3A_15, %dma_start3A_24] : memref<10000x64xf32, #tpu.memory_space<vmem_shared>> -> memref<624x64xf32, #tpu.memory_space<vmem_shared>>
      tpu.enqueue_dma source(%dma_start3A_25 : memref<624x64xf32, #tpu.memory_space<vmem_shared>>) target(%arg7 : memref<624x64xf32, #tpu.memory_space<vmem>>) target_semaphore(%run_scoped3A : memref<!tpu.dma_semaphore, #tpu.memory_space<semaphore_mem>>)
      %dma_wait3A = arith.constant 0 : i32
      %dma_wait3A_26 = tpu.memref_slice %arg6[%mul3A_15, %dma_wait3A] : memref<10000x64xf32, #tpu.memory_space<vmem_shared>> -> memref<624x64xf32, #tpu.memory_space<vmem_shared>>
      %dma_wait3A_27 = arith.constant 0 : i32
      %dma_wait3A_28 = tpu.memref_slice %arg6[%mul3A_15, %dma_wait3A_27] : memref<10000x64xf32, #tpu.memory_space<vmem_shared>> -> memref<624x64xf32, #tpu.memory_space<vmem_shared>>
      tpu.wait_dma2 semaphore(%run_scoped3A : memref<!tpu.dma_semaphore, #tpu.memory_space<semaphore_mem>>) src(%dma_wait3A_28 : memref<624x64xf32, #tpu.memory_space<vmem_shared>>) dst(%arg7 : memref<624x64xf32, #tpu.memory_space<vmem>>)
      tpu.yield
    }) : () -> ()
    %mul3A_16 = arith.constant 624 : i32
    %mul3A_17 = arith.muli %arg1, %mul3A_16 : i32
    "tpu.region"() ({
      %run_scoped3A = tpu.sem_alloc : memref<!tpu.dma_semaphore, #tpu.memory_space<semaphore_mem>>
      %dma_start3A = arith.constant 0 : i32
      %dma_start3A_23 = tpu.memref_slice %arg5[%arg0, %mul3A_17, %dma_start3A] : memref<2x10000x64xf32, #tpu.memory_space<hbm>> -> memref<1x624x64xf32, #tpu.memory_space<hbm>>
      %dma_start3A_24 = tpu.memref_squeeze %dma_start3A_23 : memref<1x624x64xf32, #tpu.memory_space<hbm>> -> memref<624x64xf32, #tpu.memory_space<hbm>>
      %dma_start3A_25 = arith.constant 0 : i32
      %dma_start3A_26 = tpu.memref_slice %arg5[%arg0, %mul3A_17, %dma_start3A_25] : memref<2x10000x64xf32, #tpu.memory_space<hbm>> -> memref<1x624x64xf32, #tpu.memory_space<hbm>>
      %dma_start3A_27 = tpu.memref_squeeze %dma_start3A_26 : memref<1x624x64xf32, #tpu.memory_space<hbm>> -> memref<624x64xf32, #tpu.memory_space<hbm>>
      tpu.enqueue_dma source(%arg7 : memref<624x64xf32, #tpu.memory_space<vmem>>) target(%dma_start3A_27 : memref<624x64xf32, #tpu.memory_space<hbm>>) target_semaphore(%run_scoped3A : memref<!tpu.dma_semaphore, #tpu.memory_space<semaphore_mem>>)
      %dma_wait3A = arith.constant 0 : i32
      %dma_wait3A_28 = tpu.memref_slice %arg5[%arg0, %mul3A_17, %dma_wait3A] : memref<2x10000x64xf32, #tpu.memory_space<hbm>> -> memref<1x624x64xf32, #tpu.memory_space<hbm>>
      %dma_wait3A_29 = tpu.memref_squeeze %dma_wait3A_28 : memref<1x624x64xf32, #tpu.memory_space<hbm>> -> memref<624x64xf32, #tpu.memory_space<hbm>>
      %dma_wait3A_30 = arith.constant 0 : i32
      %dma_wait3A_31 = tpu.memref_slice %arg5[%arg0, %mul3A_17, %dma_wait3A_30] : memref<2x10000x64xf32, #tpu.memory_space<hbm>> -> memref<1x624x64xf32, #tpu.memory_space<hbm>>
      %dma_wait3A_32 = tpu.memref_squeeze %dma_wait3A_31 : memref<1x624x64xf32, #tpu.memory_space<hbm>> -> memref<624x64xf32, #tpu.memory_space<hbm>>
      tpu.wait_dma2 semaphore(%run_scoped3A : memref<!tpu.dma_semaphore, #tpu.memory_space<semaphore_mem>>) src(%arg7 : memref<624x64xf32, #tpu.memory_space<vmem>>) dst(%dma_wait3A_32 : memref<624x64xf32, #tpu.memory_space<hbm>>)
      tpu.yield
    }) : () -> ()
    %eq3A_18 = arith.constant 15 : i32
    %eq3A_19 = arith.cmpi eq, %arg1, %eq3A_18 : i32
    %convert_element_type3A_20 = arith.extui %eq3A_19 : i1 to i32
    %cond3A_21 = arith.constant 0 : i32
    %cond3A_22 = arith.cmpi ne, %convert_element_type3A_20, %cond3A_21 : i32
    scf.if %cond3A_22 {
      "tpu.region"() ({
        %run_scoped3A = tpu.sem_alloc : memref<!tpu.dma_semaphore, #tpu.memory_space<semaphore_mem>>
        %dma_start3A = arith.constant 0 : i32
        %dma_start3A_23 = arith.constant 0 : i32
        %dma_start3A_24 = tpu.memref_slice %arg7[%dma_start3A, %dma_start3A_23] : memref<624x64xf32, #tpu.memory_space<vmem>> -> memref<16x64xf32, #tpu.memory_space<vmem>>
        %dma_start3A_25 = arith.constant 9984 : i32
        %dma_start3A_26 = arith.constant 0 : i32
        %dma_start3A_27 = tpu.memref_slice %arg6[%dma_start3A_25, %dma_start3A_26] : memref<10000x64xf32, #tpu.memory_space<vmem_shared>> -> memref<16x64xf32, #tpu.memory_space<vmem_shared>>
        %dma_start3A_28 = arith.constant 0 : i32
        %dma_start3A_29 = arith.constant 0 : i32
        %dma_start3A_30 = tpu.memref_slice %arg7[%dma_start3A_28, %dma_start3A_29] : memref<624x64xf32, #tpu.memory_space<vmem>> -> memref<16x64xf32, #tpu.memory_space<vmem>>
        %dma_start3A_31 = arith.constant 9984 : i32
        %dma_start3A_32 = arith.constant 0 : i32
        %dma_start3A_33 = tpu.memref_slice %arg6[%dma_start3A_31, %dma_start3A_32] : memref<10000x64xf32, #tpu.memory_space<vmem_shared>> -> memref<16x64xf32, #tpu.memory_space<vmem_shared>>
        tpu.enqueue_dma source(%dma_start3A_33 : memref<16x64xf32, #tpu.memory_space<vmem_shared>>) target(%dma_start3A_30 : memref<16x64xf32, #tpu.memory_space<vmem>>) target_semaphore(%run_scoped3A : memref<!tpu.dma_semaphore, #tpu.memory_space<semaphore_mem>>)
        %dma_wait3A = arith.constant 0 : i32
        %dma_wait3A_34 = arith.constant 0 : i32
        %dma_wait3A_35 = tpu.memref_slice %arg7[%dma_wait3A, %dma_wait3A_34] : memref<624x64xf32, #tpu.memory_space<vmem>> -> memref<16x64xf32, #tpu.memory_space<vmem>>
        %dma_wait3A_36 = arith.constant 9984 : i32
        %dma_wait3A_37 = arith.constant 0 : i32
        %dma_wait3A_38 = tpu.memref_slice %arg6[%dma_wait3A_36, %dma_wait3A_37] : memref<10000x64xf32, #tpu.memory_space<vmem_shared>> -> memref<16x64xf32, #tpu.memory_space<vmem_shared>>
        %dma_wait3A_39 = arith.constant 0 : i32
        %dma_wait3A_40 = arith.constant 0 : i32
        %dma_wait3A_41 = tpu.memref_slice %arg7[%dma_wait3A_39, %dma_wait3A_40] : memref<624x64xf32, #tpu.memory_space<vmem>> -> memref<16x64xf32, #tpu.memory_space<vmem>>
        %dma_wait3A_42 = arith.constant 9984 : i32
        %dma_wait3A_43 = arith.constant 0 : i32
        %dma_wait3A_44 = tpu.memref_slice %arg6[%dma_wait3A_42, %dma_wait3A_43] : memref<10000x64xf32, #tpu.memory_space<vmem_shared>> -> memref<16x64xf32, #tpu.memory_space<vmem_shared>>
        tpu.wait_dma2 semaphore(%run_scoped3A : memref<!tpu.dma_semaphore, #tpu.memory_space<semaphore_mem>>) src(%dma_wait3A_44 : memref<16x64xf32, #tpu.memory_space<vmem_shared>>) dst(%dma_wait3A_41 : memref<16x64xf32, #tpu.memory_space<vmem>>)
        tpu.yield
      }) : () -> ()
      "tpu.region"() ({
        %run_scoped3A = tpu.sem_alloc : memref<!tpu.dma_semaphore, #tpu.memory_space<semaphore_mem>>
        %dma_start3A = arith.constant 0 : i32
        %dma_start3A_23 = arith.constant 0 : i32
        %dma_start3A_24 = tpu.memref_slice %arg7[%dma_start3A, %dma_start3A_23] : memref<624x64xf32, #tpu.memory_space<vmem>> -> memref<16x64xf32, #tpu.memory_space<vmem>>
        %dma_start3A_25 = arith.constant 9984 : i32
        %dma_start3A_26 = arith.constant 0 : i32
        %dma_start3A_27 = tpu.memref_slice %arg5[%arg0, %dma_start3A_25, %dma_start3A_26] : memref<2x10000x64xf32, #tpu.memory_space<hbm>> -> memref<1x16x64xf32, #tpu.memory_space<hbm>>
        %dma_start3A_28 = tpu.memref_squeeze %dma_start3A_27 : memref<1x16x64xf32, #tpu.memory_space<hbm>> -> memref<16x64xf32, #tpu.memory_space<hbm>>
        %dma_start3A_29 = arith.constant 9984 : i32
        %dma_start3A_30 = arith.constant 0 : i32
        %dma_start3A_31 = tpu.memref_slice %arg5[%arg0, %dma_start3A_29, %dma_start3A_30] : memref<2x10000x64xf32, #tpu.memory_space<hbm>> -> memref<1x16x64xf32, #tpu.memory_space<hbm>>
        %dma_start3A_32 = tpu.memref_squeeze %dma_start3A_31 : memref<1x16x64xf32, #tpu.memory_space<hbm>> -> memref<16x64xf32, #tpu.memory_space<hbm>>
        %dma_start3A_33 = arith.constant 0 : i32
        %dma_start3A_34 = arith.constant 0 : i32
        %dma_start3A_35 = tpu.memref_slice %arg7[%dma_start3A_33, %dma_start3A_34] : memref<624x64xf32, #tpu.memory_space<vmem>> -> memref<16x64xf32, #tpu.memory_space<vmem>>
        tpu.enqueue_dma source(%dma_start3A_35 : memref<16x64xf32, #tpu.memory_space<vmem>>) target(%dma_start3A_32 : memref<16x64xf32, #tpu.memory_space<hbm>>) target_semaphore(%run_scoped3A : memref<!tpu.dma_semaphore, #tpu.memory_space<semaphore_mem>>)
        %dma_wait3A = arith.constant 0 : i32
        %dma_wait3A_36 = arith.constant 0 : i32
        %dma_wait3A_37 = tpu.memref_slice %arg7[%dma_wait3A, %dma_wait3A_36] : memref<624x64xf32, #tpu.memory_space<vmem>> -> memref<16x64xf32, #tpu.memory_space<vmem>>
        %dma_wait3A_38 = arith.constant 9984 : i32
        %dma_wait3A_39 = arith.constant 0 : i32
        %dma_wait3A_40 = tpu.memref_slice %arg5[%arg0, %dma_wait3A_38, %dma_wait3A_39] : memref<2x10000x64xf32, #tpu.memory_space<hbm>> -> memref<1x16x64xf32, #tpu.memory_space<hbm>>
        %dma_wait3A_41 = tpu.memref_squeeze %dma_wait3A_40 : memref<1x16x64xf32, #tpu.memory_space<hbm>> -> memref<16x64xf32, #tpu.memory_space<hbm>>
        %dma_wait3A_42 = arith.constant 9984 : i32
        %dma_wait3A_43 = arith.constant 0 : i32
        %dma_wait3A_44 = tpu.memref_slice %arg5[%arg0, %dma_wait3A_42, %dma_wait3A_43] : memref<2x10000x64xf32, #tpu.memory_space<hbm>> -> memref<1x16x64xf32, #tpu.memory_space<hbm>>
        %dma_wait3A_45 = tpu.memref_squeeze %dma_wait3A_44 : memref<1x16x64xf32, #tpu.memory_space<hbm>> -> memref<16x64xf32, #tpu.memory_space<hbm>>
        %dma_wait3A_46 = arith.constant 0 : i32
        %dma_wait3A_47 = arith.constant 0 : i32
        %dma_wait3A_48 = tpu.memref_slice %arg7[%dma_wait3A_46, %dma_wait3A_47] : memref<624x64xf32, #tpu.memory_space<vmem>> -> memref<16x64xf32, #tpu.memory_space<vmem>>
        tpu.wait_dma2 semaphore(%run_scoped3A : memref<!tpu.dma_semaphore, #tpu.memory_space<semaphore_mem>>) src(%dma_wait3A_48 : memref<16x64xf32, #tpu.memory_space<vmem>>) dst(%dma_wait3A_45 : memref<16x64xf32, #tpu.memory_space<hbm>>)
        tpu.yield
      }) : () -> ()
    } else {
    }
    return
  }
}

module attributes {stable_mosaic.version = 14 : i64} {
  func.func @_tc_b(%arg0: memref<2x10112x1xf32, #tpu.memory_space<vmem>>, %arg1: memref<10000x128xf32, #tpu.memory_space<vmem>>, %arg2: memref<128x64xf32, #tpu.memory_space<vmem>>, %arg3: memref<10000x64xf32, #tpu.memory_space<vmem>>, %arg4: memref<10000x1xf32, #tpu.memory_space<vmem>>) attributes {dimension_semantics = [], scalar_prefetch = 0 : i64, scratch_operands = 0 : i64, tpu.core_type = #tpu.core_type<tc>} {
    %get3A = arith.constant 0 : index
    %get3A_0 = arith.constant 0 : index
    %get3A_1 = arith.constant 0 : index
    %get3A_2 = vector.load %arg0[%get3A, %get3A_0, %get3A_1] : memref<2x10112x1xf32, #tpu.memory_space<vmem>>, vector<1x10112x1xf32>
    %get3A_3 = vector.shape_cast %get3A_2 : vector<1x10112x1xf32> to vector<10112x1xf32>
    %get3A_4 = arith.constant 1 : index
    %get3A_5 = arith.constant 0 : index
    %get3A_6 = arith.constant 0 : index
    %get3A_7 = vector.load %arg0[%get3A_4, %get3A_5, %get3A_6] : memref<2x10112x1xf32, #tpu.memory_space<vmem>>, vector<1x10112x1xf32>
    %get3A_8 = vector.shape_cast %get3A_7 : vector<1x10112x1xf32> to vector<10112x1xf32>
    %add3A = arith.addf %get3A_3, %get3A_8 : vector<10112x1xf32>
    %add3A_9 = arith.constant 1.000000e+00 : f32
    %add3A_10 = vector.broadcast %add3A_9 : f32 to vector<10112x1xf32>
    %add3A_11 = arith.addf %add3A, %add3A_10 : vector<10112x1xf32>
    %rsqrt3A = math.rsqrt %add3A_11 : vector<10112x1xf32>
    %slice3A = vector.extract_strided_slice %rsqrt3A {offsets = [0, 0], sizes = [10000, 1], strides = [1, 1]} : vector<10112x1xf32> to vector<10000x1xf32>
    %get3A_12 = arith.constant 0 : index
    %get3A_13 = arith.constant 0 : index
    %get3A_14 = vector.load %arg1[%get3A_12, %get3A_13] : memref<10000x128xf32, #tpu.memory_space<vmem>>, vector<10000x128xf32>
    %get3A_15 = arith.constant 0 : index
    %get3A_16 = arith.constant 0 : index
    %get3A_17 = vector.load %arg2[%get3A_15, %get3A_16] : memref<128x64xf32, #tpu.memory_space<vmem>>, vector<128x64xf32>
    %dot_general3A = arith.constant dense<0.000000e+00> : vector<10000x64xf32>
    %dot_general3A_18 = tpu.matmul %get3A_14, %get3A_17, %dot_general3A {dimension_numbers = #tpu.dot_dimension_numbers<[1], [0], [0], [1], [0, 0, 1, 1], [], []>, transpose_lhs_hint = false} : vector<10000x128xf32>, vector<128x64xf32>, vector<10000x64xf32> -> vector<10000x64xf32>
    %mul3A = vector.broadcast %slice3A : vector<10000x1xf32> to vector<10000x64xf32>
    %mul3A_19 = arith.mulf %dot_general3A_18, %mul3A : vector<10000x64xf32>
    %swap3A = arith.constant 0 : index
    %swap3A_20 = arith.constant 0 : index
    %swap3A_21 = vector.load %arg3[%swap3A, %swap3A_20] : memref<10000x64xf32, #tpu.memory_space<vmem>>, vector<10000x64xf32>
    tpu.vector_store %arg3[%swap3A, %swap3A_20], %mul3A_19 {strides = array<i32>} : memref<10000x64xf32, #tpu.memory_space<vmem>>, vector<10000x64xf32>,
    %swap3A_22 = arith.constant 0 : index
    %swap3A_23 = arith.constant 0 : index
    %swap3A_24 = vector.load %arg4[%swap3A_22, %swap3A_23] : memref<10000x1xf32, #tpu.memory_space<vmem>>, vector<10000x1xf32>
    tpu.vector_store %arg4[%swap3A_22, %swap3A_23], %slice3A {strides = array<i32>} : memref<10000x1xf32, #tpu.memory_space<vmem>>, vector<10000x1xf32>,
    return
  }
}

module attributes {stable_mosaic.version = 14 : i64} {
  func.func @_tc_d(%arg0: memref<2x10000x64xf32, #tpu.memory_space<vmem>>, %arg1: memref<10000x64xf32, #tpu.memory_space<vmem>>, %arg2: memref<10000x1xf32, #tpu.memory_space<vmem>>, %arg3: memref<1x64xf32, #tpu.memory_space<vmem>>, %arg4: memref<64x64xf32, #tpu.memory_space<vmem>>, %arg5: memref<10000x64xf32, #tpu.memory_space<vmem>>, %arg6: memref<10000x64xf32, #tpu.memory_space<vmem>>) attributes {dimension_semantics = [], scalar_prefetch = 0 : i64, scratch_operands = 0 : i64, tpu.core_type = #tpu.core_type<tc>} {
    %get3A = arith.constant 0 : index
    %get3A_0 = arith.constant 0 : index
    %get3A_1 = arith.constant 0 : index
    %get3A_2 = vector.load %arg0[%get3A, %get3A_0, %get3A_1] : memref<2x10000x64xf32, #tpu.memory_space<vmem>>, vector<1x10000x64xf32>
    %get3A_3 = vector.shape_cast %get3A_2 : vector<1x10000x64xf32> to vector<10000x64xf32>
    %get3A_4 = arith.constant 1 : index
    %get3A_5 = arith.constant 0 : index
    %get3A_6 = arith.constant 0 : index
    %get3A_7 = vector.load %arg0[%get3A_4, %get3A_5, %get3A_6] : memref<2x10000x64xf32, #tpu.memory_space<vmem>>, vector<1x10000x64xf32>
    %get3A_8 = vector.shape_cast %get3A_7 : vector<1x10000x64xf32> to vector<10000x64xf32>
    %add3A = arith.addf %get3A_3, %get3A_8 : vector<10000x64xf32>
    %get3A_9 = arith.constant 0 : index
    %get3A_10 = arith.constant 0 : index
    %get3A_11 = vector.load %arg1[%get3A_9, %get3A_10] : memref<10000x64xf32, #tpu.memory_space<vmem>>, vector<10000x64xf32>
    %sub3A = arith.subf %add3A, %get3A_11 : vector<10000x64xf32>
    %get3A_12 = arith.constant 0 : index
    %get3A_13 = arith.constant 0 : index
    %get3A_14 = vector.load %arg2[%get3A_12, %get3A_13] : memref<10000x1xf32, #tpu.memory_space<vmem>>, vector<10000x1xf32>
    %mul3A = vector.broadcast %get3A_14 : vector<10000x1xf32> to vector<10000x64xf32>
    %mul3A_15 = arith.mulf %mul3A, %sub3A : vector<10000x64xf32>
    %get3A_16 = arith.constant 0 : index
    %get3A_17 = arith.constant 0 : index
    %get3A_18 = vector.load %arg3[%get3A_16, %get3A_17] : memref<1x64xf32, #tpu.memory_space<vmem>>, vector<1x64xf32>
    %add3A_19 = vector.broadcast %get3A_18 : vector<1x64xf32> to vector<10000x64xf32>
    %add3A_20 = arith.addf %mul3A_15, %add3A_19 : vector<10000x64xf32>
    %max3A = arith.constant 0.000000e+00 : f32
    %max3A_21 = vector.broadcast %max3A : f32 to vector<10000x64xf32>
    %max3A_22 = arith.maximumf %add3A_20, %max3A_21 : vector<10000x64xf32>
    %swap3A = arith.constant 0 : index
    %swap3A_23 = arith.constant 0 : index
    %swap3A_24 = vector.load %arg5[%swap3A, %swap3A_23] : memref<10000x64xf32, #tpu.memory_space<vmem>>, vector<10000x64xf32>
    tpu.vector_store %arg5[%swap3A, %swap3A_23], %max3A_22 {strides = array<i32>} : memref<10000x64xf32, #tpu.memory_space<vmem>>, vector<10000x64xf32>,
    %get3A_25 = arith.constant 0 : index
    %get3A_26 = arith.constant 0 : index
    %get3A_27 = vector.load %arg4[%get3A_25, %get3A_26] : memref<64x64xf32, #tpu.memory_space<vmem>>, vector<64x64xf32>
    %dot_general3A = arith.constant dense<0.000000e+00> : vector<10000x64xf32>
    %dot_general3A_28 = tpu.matmul %max3A_22, %get3A_27, %dot_general3A {dimension_numbers = #tpu.dot_dimension_numbers<[1], [0], [0], [1], [0, 0, 1, 1], [], []>, transpose_lhs_hint = false} : vector<10000x64xf32>, vector<64x64xf32>, vector<10000x64xf32> -> vector<10000x64xf32>
    %get3A_29 = arith.constant 0 : index
    %get3A_30 = arith.constant 0 : index
    %get3A_31 = vector.load %arg2[%get3A_29, %get3A_30] : memref<10000x1xf32, #tpu.memory_space<vmem>>, vector<10000x1xf32>
    %mul3A_32 = vector.broadcast %get3A_31 : vector<10000x1xf32> to vector<10000x64xf32>
    %mul3A_33 = arith.mulf %dot_general3A_28, %mul3A_32 : vector<10000x64xf32>
    %swap3A_34 = arith.constant 0 : index
    %swap3A_35 = arith.constant 0 : index
    %swap3A_36 = vector.load %arg6[%swap3A_34, %swap3A_35] : memref<10000x64xf32, #tpu.memory_space<vmem>>, vector<10000x64xf32>
    tpu.vector_store %arg6[%swap3A_34, %swap3A_35], %mul3A_33 {strides = array<i32>} : memref<10000x64xf32, #tpu.memory_space<vmem>>, vector<10000x64xf32>,
    return
  }
}

module attributes {stable_mosaic.version = 14 : i64} {
  func.func @_tc_f(%arg0: memref<2x10000x64xf32, #tpu.memory_space<vmem>>, %arg1: memref<10000x64xf32, #tpu.memory_space<vmem>>, %arg2: memref<10000x1xf32, #tpu.memory_space<vmem>>, %arg3: memref<1x64xf32, #tpu.memory_space<vmem>>, %arg4: memref<10000x64xf32, #tpu.memory_space<vmem>>, %arg5: memref<128x40xf32, #tpu.memory_space<vmem>>, %arg6: memref<1x40xf32, #tpu.memory_space<vmem>>, %arg7: memref<10000x40xf32, #tpu.memory_space<vmem>>) attributes {dimension_semantics = [], scalar_prefetch = 0 : i64, scratch_operands = 0 : i64, tpu.core_type = #tpu.core_type<tc>} {
    %get3A = arith.constant 0 : index
    %get3A_0 = arith.constant 0 : index
    %get3A_1 = arith.constant 0 : index
    %get3A_2 = vector.load %arg0[%get3A, %get3A_0, %get3A_1] : memref<2x10000x64xf32, #tpu.memory_space<vmem>>, vector<1x10000x64xf32>
    %get3A_3 = vector.shape_cast %get3A_2 : vector<1x10000x64xf32> to vector<10000x64xf32>
    %get3A_4 = arith.constant 1 : index
    %get3A_5 = arith.constant 0 : index
    %get3A_6 = arith.constant 0 : index
    %get3A_7 = vector.load %arg0[%get3A_4, %get3A_5, %get3A_6] : memref<2x10000x64xf32, #tpu.memory_space<vmem>>, vector<1x10000x64xf32>
    %get3A_8 = vector.shape_cast %get3A_7 : vector<1x10000x64xf32> to vector<10000x64xf32>
    %add3A = arith.addf %get3A_3, %get3A_8 : vector<10000x64xf32>
    %get3A_9 = arith.constant 0 : index
    %get3A_10 = arith.constant 0 : index
    %get3A_11 = vector.load %arg1[%get3A_9, %get3A_10] : memref<10000x64xf32, #tpu.memory_space<vmem>>, vector<10000x64xf32>
    %sub3A = arith.subf %add3A, %get3A_11 : vector<10000x64xf32>
    %get3A_12 = arith.constant 0 : index
    %get3A_13 = arith.constant 0 : index
    %get3A_14 = vector.load %arg2[%get3A_12, %get3A_13] : memref<10000x1xf32, #tpu.memory_space<vmem>>, vector<10000x1xf32>
    %mul3A = vector.broadcast %get3A_14 : vector<10000x1xf32> to vector<10000x64xf32>
    %mul3A_15 = arith.mulf %mul3A, %sub3A : vector<10000x64xf32>
    %get3A_16 = arith.constant 0 : index
    %get3A_17 = arith.constant 0 : index
    %get3A_18 = vector.load %arg3[%get3A_16, %get3A_17] : memref<1x64xf32, #tpu.memory_space<vmem>>, vector<1x64xf32>
    %add3A_19 = vector.broadcast %get3A_18 : vector<1x64xf32> to vector<10000x64xf32>
    %add3A_20 = arith.addf %mul3A_15, %add3A_19 : vector<10000x64xf32>
    %max3A = arith.constant 0.000000e+00 : f32
    %max3A_21 = vector.broadcast %max3A : f32 to vector<10000x64xf32>
    %max3A_22 = arith.maximumf %add3A_20, %max3A_21 : vector<10000x64xf32>
    %get3A_23 = arith.constant 0 : index
    %get3A_24 = arith.constant 0 : index
    %get3A_25 = vector.load %arg4[%get3A_23, %get3A_24] : memref<10000x64xf32, #tpu.memory_space<vmem>>, vector<10000x64xf32>
    %concatenate3A = tpu.concatenate %get3A_25, %max3A_22 in 1 : vector<10000x64xf32>, vector<10000x64xf32> -> vector<10000x128xf32>
    %get3A_26 = arith.constant 0 : index
    %get3A_27 = arith.constant 0 : index
    %get3A_28 = vector.load %arg5[%get3A_26, %get3A_27] : memref<128x40xf32, #tpu.memory_space<vmem>>, vector<128x40xf32>
    %dot_general3A = arith.constant dense<0.000000e+00> : vector<10000x40xf32>
    %dot_general3A_29 = tpu.matmul %concatenate3A, %get3A_28, %dot_general3A {dimension_numbers = #tpu.dot_dimension_numbers<[1], [0], [0], [1], [0, 0, 1, 1], [], []>, transpose_lhs_hint = false} : vector<10000x128xf32>, vector<128x40xf32>, vector<10000x40xf32> -> vector<10000x40xf32>
    %get3A_30 = arith.constant 0 : index
    %get3A_31 = arith.constant 0 : index
    %get3A_32 = vector.load %arg6[%get3A_30, %get3A_31] : memref<1x40xf32, #tpu.memory_space<vmem>>, vector<1x40xf32>
    %add3A_33 = vector.broadcast %get3A_32 : vector<1x40xf32> to vector<10000x40xf32>
    %add3A_34 = arith.addf %dot_general3A_29, %add3A_33 : vector<10000x40xf32>
    %max3A_35 = arith.constant 0.000000e+00 : f32
    %max3A_36 = vector.broadcast %max3A_35 : f32 to vector<10000x40xf32>
    %max3A_37 = arith.maximumf %add3A_34, %max3A_36 : vector<10000x40xf32>
    %swap3A = arith.constant 0 : index
    %swap3A_38 = arith.constant 0 : index
    %swap3A_39 = vector.load %arg7[%swap3A, %swap3A_38] : memref<10000x40xf32, #tpu.memory_space<vmem>>, vector<10000x40xf32>
    tpu.vector_store %arg7[%swap3A, %swap3A_38], %max3A_37 {strides = array<i32>} : memref<10000x40xf32, #tpu.memory_space<vmem>>, vector<10000x40xf32>,
    return
  }
}

</mosaic_0001>

<sc_bundles>
// kernel: kernel.11.cloned.1.call-start
scs
__scs_entry_jumppad:
0x0: {  	(pc) =	sbr.rel $0x88, $3  }
0x1: {  	(tag) =	ssettag $0x0;
	lr =	simm.s32 $0x1  }
0x2: {  	[smem:$0x3F99] =	sst lr;
	_ =	strace $0xD0000000  }
0x3: {  	_ = 	snop  }
0x4: {  	_ = 	snop  }
0x5: {  	_ = 	snop  }
0x6: {  	_ = 	snop  }
0x7: {  	_ = 	snop  }
__scs_overlays_trampoline_lowered:
0x8: {  	[smem:$0x3FA8] =	sst s0  }
0x9: {  	[smem:$0x3FA9] =	sst s1  }
0xa: {  	[smem:$0x3FAA] =	sst s2  }
0xb: {  	[smem:$0x3FAB] =	sst s3  }
0xc: {  	[smem:$0x3FAC] =	sst s4  }
0xd: {  	[smem:$0x3FAD] =	sst s5  }
0xe: {  	[smem:$0x3FAE] =	sst s6  }
0xf: {  	[smem:$0x3FAF] =	sst s7  }
0x10: {  	[smem:$0x3FB0] =	sst s8  }
0x11: {  	[smem:$0x3FB1] =	sst s9;
	s0 =	simm.s32 @!p0 $0x0  }
0x12: {  	s1 =	sld [smem:$0x3F97];
	s0 =	simm.s32 @p0 $0x1  }
0x13: {  	[smem:$0x3FB2] =	sst s0;
	s0 =	simm.s32 @!p1 $0x0  }
0x14: {  	s2 =	sld [smem:$0x3F96];
	s0 =	simm.s32 @p1 $0x1  }
0x15: {  	[smem:$0x3FB3] =	sst s0;
	s0 =	simm.s32 @!p2 $0x0  }
0x16: {  	s3 =	sld [smem:$0x3FDB];
	s0 =	simm.s32 @p2 $0x1  }
0x17: {  	s4 =	simm.s32 $0x1BF5;
	[smem:$0x3FB5] =	sst s0  }
0x18: {  	s0 =	sld [smem:$0x3F98];
	_ =	swait.ge [sflag:s4], $0x0  }
0x19: {  	s7 =	sld [smem:$0x3F99]  }
0x1a: {  	s8 =	sadd.s32 $0xFFFFE003, lr  }
0x1b: {  	s9 =	sadd.s32 $0xFFFFFEF7, lr;
	s5 =	simm.s32 $0xFFFFFFFF;
	p2 =	slt.u32 s8, $0xFFFFF086  }
0x1c: {  	p1 =	slt.u32 s9, $0xF7A;
	s5 =	simm.s32 @!p2 $0x0  }
0x1d: {  	s5 =	simm.s32 @p1 $0x1;
	p0 =	seq.s32 s7, s2  }
0x1e: {  	s7 =	smul.u32 @!p0 $0xF7A, s2;
	p2 =	seq.s32 @!p0 s5, $0x0  }
0x1f: {  	s9 =	smul.u32 $0xF7A, s1;
	s8 =	simm.s32 @!p0 $0x1BF5;
	p2 =	por !p2, p0  }
0x20: {  	[sflag:s8] =	ssyncset.s32 @!p0 $0xFFFFF086;
	s6 =	sadd.s32 @!p0 s3, s7;
	s7 =	simm.s32 @!p0 $0x108  }
0x21: {  	s3 =	sadd.s32 s3, s9;
	s6 =	sadd.s32 @!p0 $0x88, s6;
	s7 =	simm.s32 @p2 $0x1082  }
0x22: {  	[simem:s7], [sflag:s8] =	dma.local @!p0 [hbm:s6], $0xF7A  }
0x23: {  	s9 =	sor.u32 $0xD0000000, s2;
	s6 =	simm.s32 $0x108;
	_ =	swait.ge @!p0 [sflag:s8], $0x0  }
0x24: {  	s3 =	sadd.s32 $0x88, s3;
	s6 =	simm.s32 @!p1 $0x1082;
	[sflag:s4] =	ssyncset.s32 $0xFFFFF086  }
0x25: {  	[simem:s6], [sflag:s4] =	dma.local [hbm:s3], $0xF7A  }
0x26: {  	[smem:$0x3F99] =	sst s1;
	(tag) =	ssettag s2;
	_ =	strace s9  }
0x27: {  	s1 =	sld [smem:$0x3FA9]  }
0x28: {  	s2 =	sld [smem:$0x3FAA]  }
0x29: {  	s4 =	sld [smem:$0x3FAC]  }
0x2a: {  	p0 =	seq.s32 s5, $0x0;
	s5 =	sld [smem:$0x3FAD]  }
0x2b: {  	s6 =	sld [smem:$0x3FAE]  }
0x2c: {  	s7 =	sld [smem:$0x3FAF]  }
0x2d: {  	s3 =	simm.s32 $0x108;
	s8 =	sld [smem:$0x3FB0]  }
0x2e: {  	s3 =	simm.s32 @!p0 $0x1082;
	s9 =	sld [smem:$0x3FB1]  }
0x2f: {  	lr =	sadd.s32 s0, s3;
	s0 =	sld [smem:$0x3FA8]  }
0x30: {  	s3 =	sld [smem:$0x3FAB]  }
0x31: {  	[smem:$0x3FB4] =	sst s10  }
0x32: {  	s10 =	sld [smem:$0x3FB2];
	_ =	sdelay $0x3  }
0x33: {  	p0 =	seq.s32 s10, $0x1;
	s10 =	sld [smem:$0x3FB4];
	_ =	sdelay $0x3  }
0x34: {  	[smem:$0x3FB4] =	sst s10  }
0x35: {  	s10 =	sld [smem:$0x3FB3];
	_ =	sdelay $0x3  }
0x36: {  	p1 =	seq.s32 s10, $0x1;
	s10 =	sld [smem:$0x3FB4];
	_ =	sdelay $0x3  }
0x37: {  	[smem:$0x3FB4] =	sst s10  }
0x38: {  	s10 =	sld [smem:$0x3FB5]  }
0x39: {  	_ = 	snop;
	(pc) =	sbr.ind lr, $3  }
0x3a: {  	_ = 	snop  }
0x3b: {  	_ = 	snop  }
0x3c: {  	p2 =	seq.s32 s10, $0x1;
	s10 =	sld [smem:$0x3FB4]  }
0x3d: {  	_ =	shalt  }
0x3e: {  	_ =	shalt  }
0x3f: {  	_ =	shalt  }
0x40: {  	_ =	shalt  }
0x41: {  	_ =	shalt  }
0x42: {  	_ =	shalt  }
0x43: {  	_ =	shalt  }
0x44: {  	_ =	shalt  }
0x45: {  	_ =	shalt  }
0x46: {  	_ =	shalt  }
0x47: {  	_ =	shalt  }
0x48: {  	_ =	shalt  }
0x49: {  	_ =	shalt  }
0x4a: {  	_ =	shalt  }
0x4b: {  	_ =	shalt  }
0x4c: {  	_ =	shalt  }
0x4d: {  	_ =	shalt  }
0x4e: {  	_ =	shalt  }
0x4f: {  	_ =	shalt  }
0x50: {  	_ =	shalt  }
0x51: {  	_ =	shalt  }
0x52: {  	_ =	shalt  }
0x53: {  	_ =	shalt  }
0x54: {  	_ =	shalt  }
0x55: {  	_ =	shalt  }
0x56: {  	_ =	shalt  }
0x57: {  	_ =	shalt  }
0x58: {  	_ =	shalt  }
0x59: {  	_ =	shalt  }
0x5a: {  	_ =	shalt  }
0x5b: {  	_ =	shalt  }
0x5c: {  	_ =	shalt  }
0x5d: {  	_ =	shalt  }
0x5e: {  	_ =	shalt  }
0x5f: {  	_ =	shalt  }
0x60: {  	_ =	shalt  }
0x61: {  	_ =	shalt  }
0x62: {  	_ =	shalt  }
0x63: {  	_ =	shalt  }
0x64: {  	_ =	shalt  }
0x65: {  	_ =	shalt  }
0x66: {  	_ =	shalt  }
0x67: {  	_ =	shalt  }
0x68: {  	_ =	shalt  }
0x69: {  	_ =	shalt  }
0x6a: {  	_ =	shalt  }
0x6b: {  	_ =	shalt  }
0x6c: {  	_ =	shalt  }
0x6d: {  	_ =	shalt  }
0x6e: {  	_ =	shalt  }
0x6f: {  	_ =	shalt  }
0x70: {  	_ =	shalt  }
0x71: {  	_ =	shalt  }
0x72: {  	_ =	shalt  }
0x73: {  	_ =	shalt  }
0x74: {  	_ =	shalt  }
0x75: {  	_ =	shalt  }
0x76: {  	_ =	shalt  }
0x77: {  	_ =	shalt  }
0x78: {  	_ =	shalt  }
0x79: {  	_ =	shalt  }
0x7a: {  	_ =	shalt  }
0x7b: {  	_ =	shalt  }
0x7c: {  	_ =	shalt  }
0x7d: {  	_ =	shalt  }
0x7e: {  	_ =	shalt  }
0x7f: {  	_ =	shalt  }
0x80: {  	_ =	shalt  }
0x81: {  	_ =	shalt  }
0x82: {  	_ =	shalt  }
0x83: {  	_ =	shalt  }
0x84: {  	_ =	shalt  }
0x85: {  	_ =	shalt  }
0x86: {  	_ =	shalt  }
0x87: {  	_ =	shalt  }
.Lfunc_end0:
.L_simem_size_0:
called_computation.1_lowered:
.L_overlay_start_0:
0x88: {  	s2 =	sld [smem:$0x3FD9]  }
0x89: {  	s3 =	sld [smem:$0x3FFE];
	_ =	sdelay $0x1  }
0x8a: {  	s1 =	srdreg.scid  }
0x8b: {  	s0 =	sand.u32 $0x1, s1  }
0x8c: {  	s17 =	sshll.u32 s0, $0xA;
	s2 =	sadd.s32 s3, s2  }
0x8d: {  	s2 =	sadd.s32 s2, s17  }
0x8e: {  	[smem:$0x3FC0] =	sst s2  }
0x8f: {  	_ = 	snop  }
0x90: {  	s2 =	sld [smem:$0x3FD0];
	(tm) =	ssettm $0x1  }
0x91: {  	s18 =	sld [smem:$0x3FFB];
	_ =	sdelay $0x3  }
0x92: {  	_ =	strace s18  }
0x93: {  	s3 =	sld [smem:$0x3FFC];
	_ =	sdelay $0x3  }
0x94: {  	_ =	strace s3  }
0x95: {  	s3 =	sld [smem:$0x3FFD];
	_ =	sdelay $0x3  }
0x96: {  	_ =	strace s3  }
0x97: {  	_ =	strace $0x8FFFFFFF  }
0x98: {  	s19 =	sld [smem:$0x3FDB];
	_ =	sdelay $0x1  }
0x99: {  	s4 =	simm.s32 $_scs_section_size  }
0x9a: {  	s5 =	simm.s32 $_size__tile_overlayer_lowered;
	s6 =	simm.s32 $_tile_overlayer_lowered  }
0x9b: {  	s22 =	simm.s32 $0x1BFF;
	s21 =	sshll.u32 s6, $0x1;
	s3 =	sadd.s32 s4, s19  }
0x9c: {  	s7 =	simm.s32 $0x0;
	s20 =	sshll.u32 s5, $0x1;
	s5 =	sadd.s32 s21, s3  }
0x9d: {  	[timem:s7], [sflag:s22] =	dma.local [hbm:s5], s20  }
0x9e: {  	_ =	swait.ge [sflag:s22], s20  }
0x9f: {  	s4 =	ssub.s32 $0x0, s20;
	[sflag:s22] =	ssyncset.done $0x0  }
0xa0: {  	[sflag:s22] =	ssyncadd.s32 s4;
	_ =	sdelay $0x1  }
0xa1: {  	s23 =	simm.s32 $0x1B8B  }
0xa2: {  	_ =	swait.ge [sflag:s23], $0x1  }
0xa3: {  	[sflag:s23] =	ssyncset.done $0x0  }
0xa4: {  	s25 =	simm.s32 $0x1B8E;
	s24 =	sld [smem:$0x3FFE];
	[sflag:s23] =	ssyncadd.s32 $0xFFFFFFFF  }
0xa5: {  	s26 =	simm.s32 $execute0_lowered;
	[smem:$0x3FD2] =	sst s25  }
0xa6: {  	s5 =	sshll.u32 s26, $0x1;
	_ =	strace $0x80000049;
	[dreg:$0x1] =	wrdreg $0xFFFFFFFF  }
0xa7: {  	s28 =	simm.s32 $_size_execute0_lowered;
	s3 =	sadd.s32 s3, s5;
	[dreg:$0x0] =	wrdreg $0x0  }
0xa8: {  	s5 =	sshll.u32 s28, $0x1;
	[dreg:$0x2] =	wrdreg s3  }
0xa9: {  	[dreg:$0x3] =	wrdreg s5  }
0xaa: {  	[dreg:$0x4] =	wrdreg $0xC0  }
0xab: {  	_ =	task [dreg:s7], $0x5FFFF  }
0xac: {  	[dreg:$0x1] =	wrdreg $0xFFFFFFFF  }
0xad: {  	[dreg:$0x0] =	wrdreg $0x60  }
0xae: {  	[dreg:$0x2] =	wrdreg s24  }
0xaf: {  	[dreg:$0x3] =	wrdreg s2  }
0xb0: {  	[dreg:$0x4] =	wrdreg $0x0  }
0xb1: {  	[dreg:$0x5] =	wrdreg $0x9  }
0xb2: {  	_ =	task.clear_ibuf [dreg:s7], $0x6FFFF;
	_ =	strace $0x90000049  }
0xb3: {  	s29 =	simm.s32 $0x9;
	_ =	strace $0x8000004B  }
0xb4: {  	_ =	swait.ge [sflag:s29], $0x1  }
0xb5: {  	[sflag:s29] =	ssyncadd.s32 $0xFFFFFFFF  }
0xb6: {  	_ =	strace $0x9000004B  }
0xb7: {  	_ =	sfence  }
0xb8: {  	s30 =	sld [smem:$0x0];
	_ =	sdelay $0x2  }
0xb9: {  	s31 =	sshll.u32 s1, $0xD;
	s1 =	sshrl.u32 s1, $0x2  }
0xba: {  	s3 =	sand.u32 $0x4000, s31;
	s1 =	sadd.s32 s1, s30  }
0xbb: {  	s0 =	sor.u32 s3, s0;
	s1 =	sshll.u32 s1, $0x11  }
0xbc: {  	s0 =	sor.u32 s1, s0  }
0xbd: {  	s0 =	sadd.s32 $0x8F2B, s0  }
0xbe: {  	[sflag:s0] =	ssyncadd.remote.s32 $0x1  }
0xbf: {  	_ =	sfence.sel $0xFFFF  }
0xc0: {  	[dreg:$0x0] =	wrdreg $0xFFFFFFFF;
	(pc) =	sbr.abs _section_cstart, $3  }
0xc1: {  	[dreg:$0x1] =	wrdreg $0xFFFFFFFF  }
0xc2: {  	_ =	task.clear_ibuf [dreg:s7], $0x2FFFF;
	_ =	strace $0x9FFFFFFF  }
0xc3: {  	(tm) =	ssettm $0x7FFFFFFF  }
tec
execute0_lowered:
.L_overlay_start_1:
0x0: {  	(tag) =	ssettag $0x1  }
0x1: {  	s7 =	rddreg [dreg:$0x0]  }
0x2: {  	s13 =	rddreg [dreg:$0x1]  }
0x3: {  	s2 =	rddreg [dreg:$0x2]  }
0x4: {  	s0 =	srdreg.scid;
	s1 =	rddreg [dreg:$0x3];
	s3 =	simm.s32 $0x0  }
0x5: {  	s17 =	simm.s32 $0x14C90;
	s18 =	simm.s32 $0x50;
	s5 =	sand.u32 $0x1, s0  }
0x6: {  	s19 =	simm.s32 $0x13840;
	s0 =	stileid.u32;
	s4 =	smul.u32 $0x27100, s5  }
0x7: {  	s20 =	simm.s32 $0x1;
	s21 =	simm.s32 $0x0;
	s6 =	smul.u32 $0x2710, s0  }
0x8: {  	[smem:$0x7FF] =	sst s3;
	s15 =	sadd.s32 $0x1F600, s7;
	s8 =	smul.u32 $0x9C00, s0  }
0x9: {  	_ =	strace $0x8000004A;
	s29 =	ssub.s32 $0x2, s5;
	s11 =	smul.u32 $0x9C400, s5  }
0xa: {  	p0 =	sne.s32 s0, $0xF;
	s9 =	sshrl.u32 s29, $0x1;
	s4 =	sadd.s32 s6, s4  }
0xb: {  	s10 =	sshrl.u32 s8, $0x3;
	s16 =	ssub.s32 s29, s9;
	s6 =	sadd.s32 s8, s2  }
0xc: {  	s8 =	sadd.s32 s8, s11;
	s30 =	sshrl.u32 s11, $0x3;
	s14 =	sshrl.u32 s4, $0x3  }
0xd: {  	s4 =	sadd.s32 $0xBC00, s7;
	s31 =	sshrl.u32 s8, $0x3;
	s11 =	sadd.s32 s15, s30  }
0xe: {  	s8 =	sadd.s32 $0x9C000, s2;
	s12 =	sadd.s32 s14, s7;
	s5 =	sadd.s32 s4, s10  }
0xf: {  	s7 =	sadd.s32 $0x1F400, s7;
	s9 =	sadd.s32 s15, s31;
	s10 =	sadd.s32 $0x13800, s11  }
0x10: {  	s11 =	smax.u32 s16, $0x1;
	s13 =	sadd.s32 s14, s13;
	s14 =	simm.s32 $0x9C40  }
0x11: {  	s15 =	simm.s32 $0x2;
	s16 =	simm.s32 $0x14C40;
	s12 =	sadd.s32 $0x1E00, s12  }
.LBB2_1:
0x12: {  	[tilespmem:s14], [sflag:$0x2] =	stream.linear.gather [hbm4b:s5+s3], $0x9C00, $0x38;
	[tilespmem:$0x14CE0] =	vst v63  }
0x13: {  	_ =	swait.ge [sflag:s15], $0x9C00  }
0x14: {  	[sflag:s15] =	ssyncset.done $0x0  }
0x15: {  	[sflag:s15] =	ssyncadd.s32 $0xFFFF6400  }
0x16: {  	[spmem:s6] =	stream.linear.scatter [tilespmem:s14], [sflag:$0x2], $0x9C00, $0x38;
	[tilespmem:$0x14CE0] =	vst v63  }
0x17: {  	_ =	swait.ge [sflag:s15], $0x9C00  }
0x18: {  	[sflag:s15] =	ssyncset.done $0x0  }
0x19: {  	s22 =	simm.s32 @!p0 $0x0;
	s23 =	simm.s32 @!p0 $0x9C40;
	[sflag:s15] =	ssyncadd.s32 $0xFFFF6400  }
0x1a: {  	[tilespmem:s23], [sflag:$0x2] =	stream.linear.gather @!p0 [hbm4b:s7+s22], $0x400, $0x38;
	[tilespmem:$0x14CE0] =	vst v63  }
0x1b: {  	s22 =	simm.s32 @!p0 $0x2  }
0x1c: {  	_ =	swait.ge @!p0 [sflag:s22], $0x400  }
0x1d: {  	[sflag:s22] =	ssyncset.done @!p0 $0x0  }
0x1e: {  	[sflag:s22] =	ssyncadd.s32 @!p0 $0xFFFFFC00  }
0x1f: {  	[spmem:s8] =	stream.linear.scatter @!p0 [tilespmem:s23], [sflag:$0x2], $0x400, $0x38;
	[tilespmem:$0x14CE0] =	vst v63  }
0x20: {  	_ =	swait.ge @!p0 [sflag:s22], $0x400  }
0x21: {  	[sflag:s22] =	ssyncset.done @!p0 $0x0  }
0x22: {  	[sflag:s22] =	ssyncadd.s32 @!p0 $0xFFFFFC00  }
0x23: {  	s30 =	sadd.s32 $0x0, s13;
	[bflag:$0x0] =	sbarrier.arrive $0xFFFF  }
0x24: {  	[tilespmem:s16], [sflag:$0x2] =	stream.linear.gather [hbm4b:s30+s3], $0x50, $0x38;
	[tilespmem:$0x14CE0] =	vst v63  }
0x25: {  	_ =	swait.ge [sflag:s15], $0x50  }
0x26: {  	[sflag:s15] =	ssyncset.done $0x0  }
0x27: {  	s31 =	sadd.s32 $0x0, s12;
	[sflag:s15] =	ssyncadd.s32 $0xFFFFFFB0  }
0x28: {  	[tilespmem:s17], [sflag:$0x2] =	stream.linear.gather [hbm4b:s31+s3], $0x50, $0x38;
	[tilespmem:$0x14CE0] =	vst v63  }
0x29: {  	_ =	swait.ge [sflag:s15], $0x50  }
0x2a: {  	[sflag:s15] =	ssyncset.done $0x0  }
0x2b: {  	[sflag:s15] =	ssyncadd.s32 $0xFFFFFFB0  }
0x2c: {  	[tilespmem:s19], [sflag:$0x1] =	stream.indirect.gather [hbm4b:s4+s18], $0x40, s16, s18, $0xb8;
	[tilespmem:$0x14CE0] =	vst v63  }
0x2d: {  	_ =	swait.ge [sflag:s20], $0x1400  }
0x2e: {  	[sflag:s20] =	ssyncset.done $0x0  }
0x2f: {  	[sflag:s20] =	ssyncadd.s32 $0xFFFFEC00  }
0x30: {  	[spmem:s2] =	stream.indirect.scatter.add.f32 [tilespmem:s19], [sflag:$0x2], $0x40, s17, s18, $0xb8;
	[tilespmem:$0x14CE0] =	vst v63  }
0x31: {  	_ =	swait.ge [sflag:s15], $0x1400  }
0x32: {  	s23 =	simm.s32 $0x14;
	s22 =	simm.s32 $0xA;
	[sflag:s15] =	ssyncset.done $0x0  }
.LBB2_2:
0x33: {  	s24 =	sadd.s32 s22, s13  }
0x34: {  	[sflag:s15] =	ssyncadd.s32 $0xFFFFEC00;
	s25 =	smov.u32 s23;
	s26 =	sadd.s32 $0xA, s23  }
0x35: {  	[tilespmem:s16], [sflag:$0x2] =	stream.linear.gather [hbm4b:s24+s3], $0x50, $0x38;
	[tilespmem:$0x14CE0] =	vst v63  }
0x36: {  	p1 =	sne.s32 s23, $0x4D8;
	_ =	swait.ge [sflag:s15], $0x50  }
0x37: {  	[sflag:s15] =	ssyncset.done $0x0  }
0x38: {  	s23 =	sadd.s32 s22, s12;
	s22 =	smov.u32 s25;
	[sflag:s15] =	ssyncadd.s32 $0xFFFFFFB0  }
0x39: {  	[tilespmem:s17], [sflag:$0x2] =	stream.linear.gather [hbm4b:s23+s3], $0x50, $0x38;
	[tilespmem:$0x14CE0] =	vst v63  }
0x3a: {  	_ =	swait.ge [sflag:s15], $0x50  }
0x3b: {  	[sflag:s15] =	ssyncset.done $0x0  }
0x3c: {  	[sflag:s15] =	ssyncadd.s32 $0xFFFFFFB0  }
0x3d: {  	[tilespmem:s19], [sflag:$0x1] =	stream.indirect.gather [hbm4b:s4+s18], $0x40, s16, s18, $0xb8;
	[tilespmem:$0x14CE0] =	vst v63  }
0x3e: {  	_ =	swait.ge [sflag:s20], $0x1400  }
.Ltmp0:
0x3f: {  	[sflag:s20] =	ssyncset.done $0x0;
	(pc) =	sbr.rel @p1 .LBB2_2-.Ltmp0, $4  }
0x40: {  	[sflag:s20] =	ssyncadd.s32 $0xFFFFEC00  }
0x41: {  	[spmem:s2] =	stream.indirect.scatter.add.f32 [tilespmem:s19], [sflag:$0x2], $0x40, s17, s18, $0xb8;
	[tilespmem:$0x14CE0] =	vst v63  }
0x42: {  	_ =	swait.ge [sflag:s15], $0x1400  }
0x43: {  	s23 =	smov.u32 s26;
	[sflag:s15] =	ssyncset.done $0x0  }
0x44: {  	s23 =	sadd.s32 s22, s13;
	[sflag:s15] =	ssyncadd.s32 $0xFFFFEC00  }
0x45: {  	[tilespmem:s16], [sflag:$0x2] =	stream.linear.gather [hbm4b:s23+s3], $0x50, $0x38;
	[tilespmem:$0x14CE0] =	vst v63  }
0x46: {  	_ =	swait.ge [sflag:s15], $0x50  }
0x47: {  	[sflag:s15] =	ssyncset.done $0x0  }
0x48: {  	s31 =	sadd.s32 s22, s12;
	[sflag:s15] =	ssyncadd.s32 $0xFFFFFFB0  }
0x49: {  	[tilespmem:s17], [sflag:$0x2] =	stream.linear.gather [hbm4b:s31+s3], $0x50, $0x38;
	[tilespmem:$0x14CE0] =	vst v63  }
0x4a: {  	_ =	swait.ge [sflag:s15], $0x50  }
0x4b: {  	[sflag:s15] =	ssyncset.done $0x0  }
0x4c: {  	[sflag:s15] =	ssyncadd.s32 $0xFFFFFFB0  }
0x4d: {  	[tilespmem:s19], [sflag:$0x1] =	stream.indirect.gather [hbm4b:s4+s18], $0x40, s16, s18, $0xb8;
	[tilespmem:$0x14CE0] =	vst v63  }
0x4e: {  	_ =	swait.ge [sflag:s20], $0x1400  }
0x4f: {  	[sflag:s20] =	ssyncset.done $0x0  }
0x50: {  	[sflag:s20] =	ssyncadd.s32 $0xFFFFEC00  }
0x51: {  	[spmem:s2] =	stream.indirect.scatter.add.f32 [tilespmem:s19], [sflag:$0x2], $0x40, s17, s18, $0xb8;
	[tilespmem:$0x14CE0] =	vst v63  }
0x52: {  	_ =	swait.ge [sflag:s15], $0x1400  }
0x53: {  	[sflag:s15] =	ssyncset.done $0x0  }
0x54: {  	[sflag:s15] =	ssyncadd.s32 $0xFFFFEC00  }
0x55: {  	[bflag:$0x0] =	sbarrier.arrive $0xFFFF  }
0x56: {  	[tilespmem:s14], [sflag:$0x2] =	stream.linear.gather [spmem:s6], $0x9C00, $0x38;
	[tilespmem:$0x14CE0] =	vst v63  }
0x57: {  	_ =	swait.ge [sflag:s15], $0x9C00  }
0x58: {  	[sflag:s15] =	ssyncset.done $0x0  }
0x59: {  	[sflag:s15] =	ssyncadd.s32 $0xFFFF6400  }
0x5a: {  	[hbm4b:s9+s3] =	stream.linear.scatter [tilespmem:s14], [sflag:$0x2], $0x9C00, $0x38;
	[tilespmem:$0x14CE0] =	vst v63  }
0x5b: {  	_ =	swait.ge [sflag:s15], $0x9C00  }
0x5c: {  	[sflag:s15] =	ssyncset.done $0x0  }
0x5d: {  	s22 =	simm.s32 @!p0 $0x9C40;
	s23 =	simm.s32 @!p0 $0x2;
	[sflag:s15] =	ssyncadd.s32 $0xFFFF6400  }
0x5e: {  	[tilespmem:s22], [sflag:$0x2] =	stream.linear.gather @!p0 [spmem:s8], $0x400, $0x38;
	[tilespmem:$0x14CE0] =	vst v63  }
0x5f: {  	s21 =	sadd.s32 $0x1, s21;
	_ =	swait.ge @!p0 [sflag:s23], $0x400  }
0x60: {  	p1 =	sne.s32 s21, s11;
	[sflag:s23] =	ssyncset.done @!p0 $0x0  }
.Ltmp1:
0x61: {  	s24 =	simm.s32 @!p0 $0x0;
	[sflag:s23] =	ssyncadd.s32 @!p0 $0xFFFFFC00;
	(pc) =	sbr.rel @p1 .LBB2_1-.Ltmp1, $4  }
0x62: {  	[hbm4b:s10+s24] =	stream.linear.scatter @!p0 [tilespmem:s22], [sflag:$0x2], $0x400, $0x38;
	[tilespmem:$0x14CE0] =	vst v63  }
0x63: {  	_ =	swait.ge @!p0 [sflag:s23], $0x400  }
0x64: {  	[sflag:s23] =	ssyncset.done @!p0 $0x0  }
0x65: {  	[sflag:s23] =	ssyncadd.s32 @!p0 $0xFFFFFC00  }
0x66: {  	_ =	sfence.sel $0x180000  }
0x67: {  	[bflag:$0x0] =	sbarrier.arrive $0xFFFF  }
0x68: {  	p0 =	sne.s32 s0, $0x0;
	_ =	strace $0x9000004A  }
0x69: {  	s0 =	sadd.s32 @!p0 $0x100000, s1;
	[bflag:$0x2] =	sbarrier.arrive $0xFFFF  }
0x6a: {  	[sflag:s0] =	ssyncadd.tile.s32 @!p0 $0x1;
	_ =	shalt  }
.Lfunc_end2:
_tile_overlayer_lowered:
.L_overlay_start_2:
0x6b: {  	(tag) =	ssettag $0x2  }
0x6c: {  	s0 =	rddreg [dreg:$0x0];
	s2 =	stileid.u32  }
0x6d: {  	s1 =	rddreg [dreg:$0x1];
	p0 =	sne.s32 s2, $0x0  }
0x6e: {  	s3 =	rddreg [dreg:$0x2];
	[bflag:$0x3] =	sbarrier.arrive $0xFFFF;
	s2 =	simm.s32 @!p0 $0x1C02  }
0x6f: {  	[timem:s3], [sflag:s2] =	dma.local @!p0 [hbm:s0], s1  }
0x70: {  	s0 =	simm.s32 @!p0 $0x2  }
0x71: {  	_ =	swait.ge @!p0 [sflag:s0], s1  }
0x72: {  	s1 =	ssub.s32 @!p0 $0x0, s1;
	[sflag:s0] =	ssyncset.done @!p0 $0x0  }
0x73: {  	[sflag:s0] =	ssyncadd.s32 @!p0 s1  }
0x74: {  	[bflag:$0x3] =	sbarrier.arrive $0xFFFF  }
0x75: {  	_ =	shalt  }

// kernel: kernel.14.cloned.1.call-start
scs
__scs_entry_jumppad:
0x0: {  	(pc) =	sbr.rel $0x88, $3  }
0x1: {  	(tag) =	ssettag $0x0;
	lr =	simm.s32 $0x1  }
0x2: {  	[smem:$0x3F99] =	sst lr;
	_ =	strace $0xD0000000  }
0x3: {  	_ = 	snop  }
0x4: {  	_ = 	snop  }
0x5: {  	_ = 	snop  }
0x6: {  	_ = 	snop  }
0x7: {  	_ = 	snop  }
__scs_overlays_trampoline_lowered:
0x8: {  	[smem:$0x3FA8] =	sst s0  }
0x9: {  	[smem:$0x3FA9] =	sst s1  }
0xa: {  	[smem:$0x3FAA] =	sst s2  }
0xb: {  	[smem:$0x3FAB] =	sst s3  }
0xc: {  	[smem:$0x3FAC] =	sst s4  }
0xd: {  	[smem:$0x3FAD] =	sst s5  }
0xe: {  	[smem:$0x3FAE] =	sst s6  }
0xf: {  	[smem:$0x3FAF] =	sst s7  }
0x10: {  	[smem:$0x3FB0] =	sst s8  }
0x11: {  	[smem:$0x3FB1] =	sst s9;
	s0 =	simm.s32 @!p0 $0x0  }
0x12: {  	s1 =	sld [smem:$0x3F97];
	s0 =	simm.s32 @p0 $0x1  }
0x13: {  	[smem:$0x3FB2] =	sst s0;
	s0 =	simm.s32 @!p1 $0x0  }
0x14: {  	s2 =	sld [smem:$0x3F96];
	s0 =	simm.s32 @p1 $0x1  }
0x15: {  	[smem:$0x3FB3] =	sst s0;
	s0 =	simm.s32 @!p2 $0x0  }
0x16: {  	s3 =	sld [smem:$0x3FDB];
	s0 =	simm.s32 @p2 $0x1  }
0x17: {  	s4 =	simm.s32 $0x1BF5;
	[smem:$0x3FB5] =	sst s0  }
0x18: {  	s0 =	sld [smem:$0x3F98];
	_ =	swait.ge [sflag:s4], $0x0  }
0x19: {  	s7 =	sld [smem:$0x3F99]  }
0x1a: {  	s8 =	sadd.s32 $0xFFFFE003, lr  }
0x1b: {  	s9 =	sadd.s32 $0xFFFFFEF7, lr;
	s5 =	simm.s32 $0xFFFFFFFF;
	p2 =	slt.u32 s8, $0xFFFFF086  }
0x1c: {  	p1 =	slt.u32 s9, $0xF7A;
	s5 =	simm.s32 @!p2 $0x0  }
0x1d: {  	s5 =	simm.s32 @p1 $0x1;
	p0 =	seq.s32 s7, s2  }
0x1e: {  	s7 =	smul.u32 @!p0 $0xF7A, s2;
	p2 =	seq.s32 @!p0 s5, $0x0  }
0x1f: {  	s9 =	smul.u32 $0xF7A, s1;
	s8 =	simm.s32 @!p0 $0x1BF5;
	p2 =	por !p2, p0  }
0x20: {  	[sflag:s8] =	ssyncset.s32 @!p0 $0xFFFFF086;
	s6 =	sadd.s32 @!p0 s3, s7;
	s7 =	simm.s32 @!p0 $0x108  }
0x21: {  	s3 =	sadd.s32 s3, s9;
	s6 =	sadd.s32 @!p0 $0x88, s6;
	s7 =	simm.s32 @p2 $0x1082  }
0x22: {  	[simem:s7], [sflag:s8] =	dma.local @!p0 [hbm:s6], $0xF7A  }
0x23: {  	s9 =	sor.u32 $0xD0000000, s2;
	s6 =	simm.s32 $0x108;
	_ =	swait.ge @!p0 [sflag:s8], $0x0  }
0x24: {  	s3 =	sadd.s32 $0x88, s3;
	s6 =	simm.s32 @!p1 $0x1082;
	[sflag:s4] =	ssyncset.s32 $0xFFFFF086  }
0x25: {  	[simem:s6], [sflag:s4] =	dma.local [hbm:s3], $0xF7A  }
0x26: {  	[smem:$0x3F99] =	sst s1;
	(tag) =	ssettag s2;
	_ =	strace s9  }
0x27: {  	s1 =	sld [smem:$0x3FA9]  }
0x28: {  	s2 =	sld [smem:$0x3FAA]  }
0x29: {  	s4 =	sld [smem:$0x3FAC]  }
0x2a: {  	p0 =	seq.s32 s5, $0x0;
	s5 =	sld [smem:$0x3FAD]  }
0x2b: {  	s6 =	sld [smem:$0x3FAE]  }
0x2c: {  	s7 =	sld [smem:$0x3FAF]  }
0x2d: {  	s3 =	simm.s32 $0x108;
	s8 =	sld [smem:$0x3FB0]  }
0x2e: {  	s3 =	simm.s32 @!p0 $0x1082;
	s9 =	sld [smem:$0x3FB1]  }
0x2f: {  	lr =	sadd.s32 s0, s3;
	s0 =	sld [smem:$0x3FA8]  }
0x30: {  	s3 =	sld [smem:$0x3FAB]  }
0x31: {  	[smem:$0x3FB4] =	sst s10  }
0x32: {  	s10 =	sld [smem:$0x3FB2];
	_ =	sdelay $0x3  }
0x33: {  	p0 =	seq.s32 s10, $0x1;
	s10 =	sld [smem:$0x3FB4];
	_ =	sdelay $0x3  }
0x34: {  	[smem:$0x3FB4] =	sst s10  }
0x35: {  	s10 =	sld [smem:$0x3FB3];
	_ =	sdelay $0x3  }
0x36: {  	p1 =	seq.s32 s10, $0x1;
	s10 =	sld [smem:$0x3FB4];
	_ =	sdelay $0x3  }
0x37: {  	[smem:$0x3FB4] =	sst s10  }
0x38: {  	s10 =	sld [smem:$0x3FB5]  }
0x39: {  	_ = 	snop;
	(pc) =	sbr.ind lr, $3  }
0x3a: {  	_ = 	snop  }
0x3b: {  	_ = 	snop  }
0x3c: {  	p2 =	seq.s32 s10, $0x1;
	s10 =	sld [smem:$0x3FB4]  }
0x3d: {  	_ =	shalt  }
0x3e: {  	_ =	shalt  }
0x3f: {  	_ =	shalt  }
0x40: {  	_ =	shalt  }
0x41: {  	_ =	shalt  }
0x42: {  	_ =	shalt  }
0x43: {  	_ =	shalt  }
0x44: {  	_ =	shalt  }
0x45: {  	_ =	shalt  }
0x46: {  	_ =	shalt  }
0x47: {  	_ =	shalt  }
0x48: {  	_ =	shalt  }
0x49: {  	_ =	shalt  }
0x4a: {  	_ =	shalt  }
0x4b: {  	_ =	shalt  }
0x4c: {  	_ =	shalt  }
0x4d: {  	_ =	shalt  }
0x4e: {  	_ =	shalt  }
0x4f: {  	_ =	shalt  }
0x50: {  	_ =	shalt  }
0x51: {  	_ =	shalt  }
0x52: {  	_ =	shalt  }
0x53: {  	_ =	shalt  }
0x54: {  	_ =	shalt  }
0x55: {  	_ =	shalt  }
0x56: {  	_ =	shalt  }
0x57: {  	_ =	shalt  }
0x58: {  	_ =	shalt  }
0x59: {  	_ =	shalt  }
0x5a: {  	_ =	shalt  }
0x5b: {  	_ =	shalt  }
0x5c: {  	_ =	shalt  }
0x5d: {  	_ =	shalt  }
0x5e: {  	_ =	shalt  }
0x5f: {  	_ =	shalt  }
0x60: {  	_ =	shalt  }
0x61: {  	_ =	shalt  }
0x62: {  	_ =	shalt  }
0x63: {  	_ =	shalt  }
0x64: {  	_ =	shalt  }
0x65: {  	_ =	shalt  }
0x66: {  	_ =	shalt  }
0x67: {  	_ =	shalt  }
0x68: {  	_ =	shalt  }
0x69: {  	_ =	shalt  }
0x6a: {  	_ =	shalt  }
0x6b: {  	_ =	shalt  }
0x6c: {  	_ =	shalt  }
0x6d: {  	_ =	shalt  }
0x6e: {  	_ =	shalt  }
0x6f: {  	_ =	shalt  }
0x70: {  	_ =	shalt  }
0x71: {  	_ =	shalt  }
0x72: {  	_ =	shalt  }
0x73: {  	_ =	shalt  }
0x74: {  	_ =	shalt  }
0x75: {  	_ =	shalt  }
0x76: {  	_ =	shalt  }
0x77: {  	_ =	shalt  }
0x78: {  	_ =	shalt  }
0x79: {  	_ =	shalt  }
0x7a: {  	_ =	shalt  }
0x7b: {  	_ =	shalt  }
0x7c: {  	_ =	shalt  }
0x7d: {  	_ =	shalt  }
0x7e: {  	_ =	shalt  }
0x7f: {  	_ =	shalt  }
0x80: {  	_ =	shalt  }
0x81: {  	_ =	shalt  }
0x82: {  	_ =	shalt  }
0x83: {  	_ =	shalt  }
0x84: {  	_ =	shalt  }
0x85: {  	_ =	shalt  }
0x86: {  	_ =	shalt  }
0x87: {  	_ =	shalt  }
.Lfunc_end0:
.L_simem_size_0:
called_computation.2_lowered:
.L_overlay_start_0:
0x88: {  	s2 =	sld [smem:$0x3FD9]  }
0x89: {  	s3 =	sld [smem:$0x3FFE];
	_ =	sdelay $0x1  }
0x8a: {  	s1 =	srdreg.scid  }
0x8b: {  	s0 =	sand.u32 $0x1, s1  }
0x8c: {  	s17 =	sshll.u32 s0, $0xA;
	s2 =	sadd.s32 s3, s2  }
0x8d: {  	s2 =	sadd.s32 s2, s17  }
0x8e: {  	[smem:$0x3FC0] =	sst s2  }
0x8f: {  	_ = 	snop  }
0x90: {  	s2 =	sld [smem:$0x3FD0];
	(tm) =	ssettm $0x1  }
0x91: {  	s18 =	sld [smem:$0x3FFB];
	_ =	sdelay $0x3  }
0x92: {  	_ =	strace s18  }
0x93: {  	s3 =	sld [smem:$0x3FFC];
	_ =	sdelay $0x3  }
0x94: {  	_ =	strace s3  }
0x95: {  	s3 =	sld [smem:$0x3FFD];
	_ =	sdelay $0x3  }
0x96: {  	_ =	strace s3  }
0x97: {  	_ =	strace $0x8FFFFFFF  }
0x98: {  	s19 =	sld [smem:$0x3FDB];
	_ =	sdelay $0x1  }
0x99: {  	s4 =	simm.s32 $_scs_section_size  }
0x9a: {  	s5 =	simm.s32 $_size__tile_overlayer_lowered;
	s6 =	simm.s32 $_tile_overlayer_lowered  }
0x9b: {  	s22 =	simm.s32 $0x1BFF;
	s21 =	sshll.u32 s6, $0x1;
	s3 =	sadd.s32 s4, s19  }
0x9c: {  	s7 =	simm.s32 $0x0;
	s20 =	sshll.u32 s5, $0x1;
	s5 =	sadd.s32 s21, s3  }
0x9d: {  	[timem:s7], [sflag:s22] =	dma.local [hbm:s5], s20  }
0x9e: {  	_ =	swait.ge [sflag:s22], s20  }
0x9f: {  	s4 =	ssub.s32 $0x0, s20;
	[sflag:s22] =	ssyncset.done $0x0  }
0xa0: {  	[sflag:s22] =	ssyncadd.s32 s4;
	_ =	sdelay $0x1  }
0xa1: {  	s23 =	simm.s32 $0x1B8B  }
0xa2: {  	_ =	swait.ge [sflag:s23], $0x1  }
0xa3: {  	[sflag:s23] =	ssyncset.done $0x0  }
0xa4: {  	s25 =	simm.s32 $0x1B8E;
	s24 =	sld [smem:$0x3FFE];
	[sflag:s23] =	ssyncadd.s32 $0xFFFFFFFF  }
0xa5: {  	s26 =	simm.s32 $execute0_lowered;
	[smem:$0x3FD2] =	sst s25  }
0xa6: {  	s5 =	sshll.u32 s26, $0x1;
	_ =	strace $0x8000004C;
	[dreg:$0x1] =	wrdreg $0xFFFFFFFF  }
0xa7: {  	s28 =	simm.s32 $_size_execute0_lowered;
	s3 =	sadd.s32 s3, s5;
	[dreg:$0x0] =	wrdreg $0x0  }
0xa8: {  	s5 =	sshll.u32 s28, $0x1;
	[dreg:$0x2] =	wrdreg s3  }
0xa9: {  	[dreg:$0x3] =	wrdreg s5  }
0xaa: {  	[dreg:$0x4] =	wrdreg $0xC0  }
0xab: {  	_ =	task [dreg:s7], $0x5FFFF  }
0xac: {  	[dreg:$0x1] =	wrdreg $0xFFFFFFFF  }
0xad: {  	[dreg:$0x0] =	wrdreg $0x60  }
0xae: {  	[dreg:$0x2] =	wrdreg s24  }
0xaf: {  	[dreg:$0x3] =	wrdreg s2  }
0xb0: {  	[dreg:$0x4] =	wrdreg $0x0  }
0xb1: {  	[dreg:$0x5] =	wrdreg $0x9  }
0xb2: {  	_ =	task.clear_ibuf [dreg:s7], $0x6FFFF;
	_ =	strace $0x9000004C  }
0xb3: {  	s29 =	simm.s32 $0x9;
	_ =	strace $0x8000004E  }
0xb4: {  	_ =	swait.ge [sflag:s29], $0x1  }
0xb5: {  	[sflag:s29] =	ssyncadd.s32 $0xFFFFFFFF  }
0xb6: {  	_ =	strace $0x9000004E  }
0xb7: {  	_ =	sfence  }
0xb8: {  	s30 =	sld [smem:$0x0];
	_ =	sdelay $0x2  }
0xb9: {  	s31 =	sshll.u32 s1, $0xD;
	s1 =	sshrl.u32 s1, $0x2  }
0xba: {  	s3 =	sand.u32 $0x4000, s31;
	s1 =	sadd.s32 s1, s30  }
0xbb: {  	s0 =	sor.u32 s3, s0;
	s1 =	sshll.u32 s1, $0x11  }
0xbc: {  	s0 =	sor.u32 s1, s0  }
0xbd: {  	s0 =	sadd.s32 $0x8F2B, s0  }
0xbe: {  	[sflag:s0] =	ssyncadd.remote.s32 $0x1  }
0xbf: {  	_ =	sfence.sel $0xFFFF  }
0xc0: {  	[dreg:$0x0] =	wrdreg $0xFFFFFFFF;
	(pc) =	sbr.abs _section_cstart, $3  }
0xc1: {  	[dreg:$0x1] =	wrdreg $0xFFFFFFFF  }
0xc2: {  	_ =	task.clear_ibuf [dreg:s7], $0x2FFFF;
	_ =	strace $0x9FFFFFFF  }
0xc3: {  	(tm) =	ssettm $0x7FFFFFFF  }
tec
execute0_lowered:
.L_overlay_start_1:
0x0: {  	(tag) =	ssettag $0x1  }
0x1: {  	s7 =	rddreg [dreg:$0x0]  }
0x2: {  	s13 =	rddreg [dreg:$0x1]  }
0x3: {  	s2 =	rddreg [dreg:$0x2]  }
0x4: {  	s0 =	srdreg.scid;
	s1 =	rddreg [dreg:$0x3];
	s3 =	simm.s32 $0x0  }
0x5: {  	s17 =	simm.s32 $0x14C90;
	s18 =	simm.s32 $0x50;
	s5 =	sand.u32 $0x1, s0  }
0x6: {  	s19 =	simm.s32 $0x13840;
	s0 =	stileid.u32;
	s4 =	smul.u32 $0x27100, s5  }
0x7: {  	s20 =	simm.s32 $0x1;
	s21 =	simm.s32 $0x0;
	s6 =	smul.u32 $0x2710, s0  }
0x8: {  	[smem:$0x7FF] =	sst s3;
	s15 =	sadd.s32 $0x1F600, s7;
	s8 =	smul.u32 $0x9C00, s0  }
0x9: {  	_ =	strace $0x8000004D;
	s29 =	ssub.s32 $0x2, s5;
	s11 =	smul.u32 $0x9C400, s5  }
0xa: {  	p0 =	sne.s32 s0, $0xF;
	s9 =	sshrl.u32 s29, $0x1;
	s4 =	sadd.s32 s6, s4  }
0xb: {  	s10 =	sshrl.u32 s8, $0x3;
	s16 =	ssub.s32 s29, s9;
	s6 =	sadd.s32 s8, s2  }
0xc: {  	s8 =	sadd.s32 s8, s11;
	s30 =	sshrl.u32 s11, $0x3;
	s14 =	sshrl.u32 s4, $0x3  }
0xd: {  	s4 =	sadd.s32 $0xBC00, s7;
	s31 =	sshrl.u32 s8, $0x3;
	s11 =	sadd.s32 s15, s30  }
0xe: {  	s8 =	sadd.s32 $0x9C000, s2;
	s12 =	sadd.s32 s14, s7;
	s5 =	sadd.s32 s4, s10  }
0xf: {  	s7 =	sadd.s32 $0x1F400, s7;
	s9 =	sadd.s32 s15, s31;
	s10 =	sadd.s32 $0x13800, s11  }
0x10: {  	s11 =	smax.u32 s16, $0x1;
	s13 =	sadd.s32 s14, s13;
	s14 =	simm.s32 $0x9C40  }
0x11: {  	s15 =	simm.s32 $0x2;
	s16 =	simm.s32 $0x14C40;
	s12 =	sadd.s32 $0x1E00, s12  }
.LBB2_1:
0x12: {  	[tilespmem:s14], [sflag:$0x2] =	stream.linear.gather [hbm4b:s5+s3], $0x9C00, $0x38;
	[tilespmem:$0x14CE0] =	vst v63  }
0x13: {  	_ =	swait.ge [sflag:s15], $0x9C00  }
0x14: {  	[sflag:s15] =	ssyncset.done $0x0  }
0x15: {  	[sflag:s15] =	ssyncadd.s32 $0xFFFF6400  }
0x16: {  	[spmem:s6] =	stream.linear.scatter [tilespmem:s14], [sflag:$0x2], $0x9C00, $0x38;
	[tilespmem:$0x14CE0] =	vst v63  }
0x17: {  	_ =	swait.ge [sflag:s15], $0x9C00  }
0x18: {  	[sflag:s15] =	ssyncset.done $0x0  }
0x19: {  	s22 =	simm.s32 @!p0 $0x0;
	s23 =	simm.s32 @!p0 $0x9C40;
	[sflag:s15] =	ssyncadd.s32 $0xFFFF6400  }
0x1a: {  	[tilespmem:s23], [sflag:$0x2] =	stream.linear.gather @!p0 [hbm4b:s7+s22], $0x400, $0x38;
	[tilespmem:$0x14CE0] =	vst v63  }
0x1b: {  	s22 =	simm.s32 @!p0 $0x2  }
0x1c: {  	_ =	swait.ge @!p0 [sflag:s22], $0x400  }
0x1d: {  	[sflag:s22] =	ssyncset.done @!p0 $0x0  }
0x1e: {  	[sflag:s22] =	ssyncadd.s32 @!p0 $0xFFFFFC00  }
0x1f: {  	[spmem:s8] =	stream.linear.scatter @!p0 [tilespmem:s23], [sflag:$0x2], $0x400, $0x38;
	[tilespmem:$0x14CE0] =	vst v63  }
0x20: {  	_ =	swait.ge @!p0 [sflag:s22], $0x400  }
0x21: {  	[sflag:s22] =	ssyncset.done @!p0 $0x0  }
0x22: {  	[sflag:s22] =	ssyncadd.s32 @!p0 $0xFFFFFC00  }
0x23: {  	s30 =	sadd.s32 $0x0, s13;
	[bflag:$0x0] =	sbarrier.arrive $0xFFFF  }
0x24: {  	[tilespmem:s16], [sflag:$0x2] =	stream.linear.gather [hbm4b:s30+s3], $0x50, $0x38;
	[tilespmem:$0x14CE0] =	vst v63  }
0x25: {  	_ =	swait.ge [sflag:s15], $0x50  }
0x26: {  	[sflag:s15] =	ssyncset.done $0x0  }
0x27: {  	s31 =	sadd.s32 $0x0, s12;
	[sflag:s15] =	ssyncadd.s32 $0xFFFFFFB0  }
0x28: {  	[tilespmem:s17], [sflag:$0x2] =	stream.linear.gather [hbm4b:s31+s3], $0x50, $0x38;
	[tilespmem:$0x14CE0] =	vst v63  }
0x29: {  	_ =	swait.ge [sflag:s15], $0x50  }
0x2a: {  	[sflag:s15] =	ssyncset.done $0x0  }
0x2b: {  	[sflag:s15] =	ssyncadd.s32 $0xFFFFFFB0  }
0x2c: {  	[tilespmem:s19], [sflag:$0x1] =	stream.indirect.gather [hbm4b:s4+s18], $0x40, s16, s18, $0xb8;
	[tilespmem:$0x14CE0] =	vst v63  }
0x2d: {  	_ =	swait.ge [sflag:s20], $0x1400  }
0x2e: {  	[sflag:s20] =	ssyncset.done $0x0  }
0x2f: {  	[sflag:s20] =	ssyncadd.s32 $0xFFFFEC00  }
0x30: {  	[spmem:s2] =	stream.indirect.scatter.add.f32 [tilespmem:s19], [sflag:$0x2], $0x40, s17, s18, $0xb8;
	[tilespmem:$0x14CE0] =	vst v63  }
0x31: {  	_ =	swait.ge [sflag:s15], $0x1400  }
0x32: {  	s23 =	simm.s32 $0x14;
	s22 =	simm.s32 $0xA;
	[sflag:s15] =	ssyncset.done $0x0  }
.LBB2_2:
0x33: {  	s24 =	sadd.s32 s22, s13  }
0x34: {  	[sflag:s15] =	ssyncadd.s32 $0xFFFFEC00;
	s25 =	smov.u32 s23;
	s26 =	sadd.s32 $0xA, s23  }
0x35: {  	[tilespmem:s16], [sflag:$0x2] =	stream.linear.gather [hbm4b:s24+s3], $0x50, $0x38;
	[tilespmem:$0x14CE0] =	vst v63  }
0x36: {  	p1 =	sne.s32 s23, $0x4D8;
	_ =	swait.ge [sflag:s15], $0x50  }
0x37: {  	[sflag:s15] =	ssyncset.done $0x0  }
0x38: {  	s23 =	sadd.s32 s22, s12;
	s22 =	smov.u32 s25;
	[sflag:s15] =	ssyncadd.s32 $0xFFFFFFB0  }
0x39: {  	[tilespmem:s17], [sflag:$0x2] =	stream.linear.gather [hbm4b:s23+s3], $0x50, $0x38;
	[tilespmem:$0x14CE0] =	vst v63  }
0x3a: {  	_ =	swait.ge [sflag:s15], $0x50  }
0x3b: {  	[sflag:s15] =	ssyncset.done $0x0  }
0x3c: {  	[sflag:s15] =	ssyncadd.s32 $0xFFFFFFB0  }
0x3d: {  	[tilespmem:s19], [sflag:$0x1] =	stream.indirect.gather [hbm4b:s4+s18], $0x40, s16, s18, $0xb8;
	[tilespmem:$0x14CE0] =	vst v63  }
0x3e: {  	_ =	swait.ge [sflag:s20], $0x1400  }
.Ltmp0:
0x3f: {  	[sflag:s20] =	ssyncset.done $0x0;
	(pc) =	sbr.rel @p1 .LBB2_2-.Ltmp0, $4  }
0x40: {  	[sflag:s20] =	ssyncadd.s32 $0xFFFFEC00  }
0x41: {  	[spmem:s2] =	stream.indirect.scatter.add.f32 [tilespmem:s19], [sflag:$0x2], $0x40, s17, s18, $0xb8;
	[tilespmem:$0x14CE0] =	vst v63  }
0x42: {  	_ =	swait.ge [sflag:s15], $0x1400  }
0x43: {  	s23 =	smov.u32 s26;
	[sflag:s15] =	ssyncset.done $0x0  }
0x44: {  	s23 =	sadd.s32 s22, s13;
	[sflag:s15] =	ssyncadd.s32 $0xFFFFEC00  }
0x45: {  	[tilespmem:s16], [sflag:$0x2] =	stream.linear.gather [hbm4b:s23+s3], $0x50, $0x38;
	[tilespmem:$0x14CE0] =	vst v63  }
0x46: {  	_ =	swait.ge [sflag:s15], $0x50  }
0x47: {  	[sflag:s15] =	ssyncset.done $0x0  }
0x48: {  	s31 =	sadd.s32 s22, s12;
	[sflag:s15] =	ssyncadd.s32 $0xFFFFFFB0  }
0x49: {  	[tilespmem:s17], [sflag:$0x2] =	stream.linear.gather [hbm4b:s31+s3], $0x50, $0x38;
	[tilespmem:$0x14CE0] =	vst v63  }
0x4a: {  	_ =	swait.ge [sflag:s15], $0x50  }
0x4b: {  	[sflag:s15] =	ssyncset.done $0x0  }
0x4c: {  	[sflag:s15] =	ssyncadd.s32 $0xFFFFFFB0  }
0x4d: {  	[tilespmem:s19], [sflag:$0x1] =	stream.indirect.gather [hbm4b:s4+s18], $0x40, s16, s18, $0xb8;
	[tilespmem:$0x14CE0] =	vst v63  }
0x4e: {  	_ =	swait.ge [sflag:s20], $0x1400  }
0x4f: {  	[sflag:s20] =	ssyncset.done $0x0  }
0x50: {  	[sflag:s20] =	ssyncadd.s32 $0xFFFFEC00  }
0x51: {  	[spmem:s2] =	stream.indirect.scatter.add.f32 [tilespmem:s19], [sflag:$0x2], $0x40, s17, s18, $0xb8;
	[tilespmem:$0x14CE0] =	vst v63  }
0x52: {  	_ =	swait.ge [sflag:s15], $0x1400  }
0x53: {  	[sflag:s15] =	ssyncset.done $0x0  }
0x54: {  	[sflag:s15] =	ssyncadd.s32 $0xFFFFEC00  }
0x55: {  	[bflag:$0x0] =	sbarrier.arrive $0xFFFF  }
0x56: {  	[tilespmem:s14], [sflag:$0x2] =	stream.linear.gather [spmem:s6], $0x9C00, $0x38;
	[tilespmem:$0x14CE0] =	vst v63  }
0x57: {  	_ =	swait.ge [sflag:s15], $0x9C00  }
0x58: {  	[sflag:s15] =	ssyncset.done $0x0  }
0x59: {  	[sflag:s15] =	ssyncadd.s32 $0xFFFF6400  }
0x5a: {  	[hbm4b:s9+s3] =	stream.linear.scatter [tilespmem:s14], [sflag:$0x2], $0x9C00, $0x38;
	[tilespmem:$0x14CE0] =	vst v63  }
0x5b: {  	_ =	swait.ge [sflag:s15], $0x9C00  }
0x5c: {  	[sflag:s15] =	ssyncset.done $0x0  }
0x5d: {  	s22 =	simm.s32 @!p0 $0x9C40;
	s23 =	simm.s32 @!p0 $0x2;
	[sflag:s15] =	ssyncadd.s32 $0xFFFF6400  }
0x5e: {  	[tilespmem:s22], [sflag:$0x2] =	stream.linear.gather @!p0 [spmem:s8], $0x400, $0x38;
	[tilespmem:$0x14CE0] =	vst v63  }
0x5f: {  	s21 =	sadd.s32 $0x1, s21;
	_ =	swait.ge @!p0 [sflag:s23], $0x400  }
0x60: {  	p1 =	sne.s32 s21, s11;
	[sflag:s23] =	ssyncset.done @!p0 $0x0  }
.Ltmp1:
0x61: {  	s24 =	simm.s32 @!p0 $0x0;
	[sflag:s23] =	ssyncadd.s32 @!p0 $0xFFFFFC00;
	(pc) =	sbr.rel @p1 .LBB2_1-.Ltmp1, $4  }
0x62: {  	[hbm4b:s10+s24] =	stream.linear.scatter @!p0 [tilespmem:s22], [sflag:$0x2], $0x400, $0x38;
	[tilespmem:$0x14CE0] =	vst v63  }
0x63: {  	_ =	swait.ge @!p0 [sflag:s23], $0x400  }
0x64: {  	[sflag:s23] =	ssyncset.done @!p0 $0x0  }
0x65: {  	[sflag:s23] =	ssyncadd.s32 @!p0 $0xFFFFFC00  }
0x66: {  	_ =	sfence.sel $0x180000  }
0x67: {  	[bflag:$0x0] =	sbarrier.arrive $0xFFFF  }
0x68: {  	p0 =	sne.s32 s0, $0x0;
	_ =	strace $0x9000004D  }
0x69: {  	s0 =	sadd.s32 @!p0 $0x100000, s1;
	[bflag:$0x2] =	sbarrier.arrive $0xFFFF  }
0x6a: {  	[sflag:s0] =	ssyncadd.tile.s32 @!p0 $0x1;
	_ =	shalt  }
.Lfunc_end2:
_tile_overlayer_lowered:
.L_overlay_start_2:
0x6b: {  	(tag) =	ssettag $0x2  }
0x6c: {  	s0 =	rddreg [dreg:$0x0];
	s2 =	stileid.u32  }
0x6d: {  	s1 =	rddreg [dreg:$0x1];
	p0 =	sne.s32 s2, $0x0  }
0x6e: {  	s3 =	rddreg [dreg:$0x2];
	[bflag:$0x3] =	sbarrier.arrive $0xFFFF;
	s2 =	simm.s32 @!p0 $0x1C02  }
0x6f: {  	[timem:s3], [sflag:s2] =	dma.local @!p0 [hbm:s0], s1  }
0x70: {  	s0 =	simm.s32 @!p0 $0x2  }
0x71: {  	_ =	swait.ge @!p0 [sflag:s0], s1  }
0x72: {  	s1 =	ssub.s32 @!p0 $0x0, s1;
	[sflag:s0] =	ssyncset.done @!p0 $0x0  }
0x73: {  	[sflag:s0] =	ssyncadd.s32 @!p0 s1  }
0x74: {  	[bflag:$0x3] =	sbarrier.arrive $0xFFFF  }
0x75: {  	_ =	shalt  }

// kernel: kernel.8.cloned.1.call-start
scs
__scs_entry_jumppad:
0x0: {  	(pc) =	sbr.rel $0x88, $3  }
0x1: {  	(tag) =	ssettag $0x0;
	lr =	simm.s32 $0x1  }
0x2: {  	[smem:$0x3F99] =	sst lr;
	_ =	strace $0xD0000000  }
0x3: {  	_ = 	snop  }
0x4: {  	_ = 	snop  }
0x5: {  	_ = 	snop  }
0x6: {  	_ = 	snop  }
0x7: {  	_ = 	snop  }
__scs_overlays_trampoline_lowered:
0x8: {  	[smem:$0x3FA8] =	sst s0  }
0x9: {  	[smem:$0x3FA9] =	sst s1  }
0xa: {  	[smem:$0x3FAA] =	sst s2  }
0xb: {  	[smem:$0x3FAB] =	sst s3  }
0xc: {  	[smem:$0x3FAC] =	sst s4  }
0xd: {  	[smem:$0x3FAD] =	sst s5  }
0xe: {  	[smem:$0x3FAE] =	sst s6  }
0xf: {  	[smem:$0x3FAF] =	sst s7  }
0x10: {  	[smem:$0x3FB0] =	sst s8  }
0x11: {  	[smem:$0x3FB1] =	sst s9;
	s0 =	simm.s32 @!p0 $0x0  }
0x12: {  	s1 =	sld [smem:$0x3F97];
	s0 =	simm.s32 @p0 $0x1  }
0x13: {  	[smem:$0x3FB2] =	sst s0;
	s0 =	simm.s32 @!p1 $0x0  }
0x14: {  	s2 =	sld [smem:$0x3F96];
	s0 =	simm.s32 @p1 $0x1  }
0x15: {  	[smem:$0x3FB3] =	sst s0;
	s0 =	simm.s32 @!p2 $0x0  }
0x16: {  	s3 =	sld [smem:$0x3FDB];
	s0 =	simm.s32 @p2 $0x1  }
0x17: {  	s4 =	simm.s32 $0x1BF5;
	[smem:$0x3FB5] =	sst s0  }
0x18: {  	s0 =	sld [smem:$0x3F98];
	_ =	swait.ge [sflag:s4], $0x0  }
0x19: {  	s7 =	sld [smem:$0x3F99]  }
0x1a: {  	s8 =	sadd.s32 $0xFFFFE003, lr  }
0x1b: {  	s9 =	sadd.s32 $0xFFFFFEF7, lr;
	s5 =	simm.s32 $0xFFFFFFFF;
	p2 =	slt.u32 s8, $0xFFFFF086  }
0x1c: {  	p1 =	slt.u32 s9, $0xF7A;
	s5 =	simm.s32 @!p2 $0x0  }
0x1d: {  	s5 =	simm.s32 @p1 $0x1;
	p0 =	seq.s32 s7, s2  }
0x1e: {  	s7 =	smul.u32 @!p0 $0xF7A, s2;
	p2 =	seq.s32 @!p0 s5, $0x0  }
0x1f: {  	s9 =	smul.u32 $0xF7A, s1;
	s8 =	simm.s32 @!p0 $0x1BF5;
	p2 =	por !p2, p0  }
0x20: {  	[sflag:s8] =	ssyncset.s32 @!p0 $0xFFFFF086;
	s6 =	sadd.s32 @!p0 s3, s7;
	s7 =	simm.s32 @!p0 $0x108  }
0x21: {  	s3 =	sadd.s32 s3, s9;
	s6 =	sadd.s32 @!p0 $0x88, s6;
	s7 =	simm.s32 @p2 $0x1082  }
0x22: {  	[simem:s7], [sflag:s8] =	dma.local @!p0 [hbm:s6], $0xF7A  }
0x23: {  	s9 =	sor.u32 $0xD0000000, s2;
	s6 =	simm.s32 $0x108;
	_ =	swait.ge @!p0 [sflag:s8], $0x0  }
0x24: {  	s3 =	sadd.s32 $0x88, s3;
	s6 =	simm.s32 @!p1 $0x1082;
	[sflag:s4] =	ssyncset.s32 $0xFFFFF086  }
0x25: {  	[simem:s6], [sflag:s4] =	dma.local [hbm:s3], $0xF7A  }
0x26: {  	[smem:$0x3F99] =	sst s1;
	(tag) =	ssettag s2;
	_ =	strace s9  }
0x27: {  	s1 =	sld [smem:$0x3FA9]  }
0x28: {  	s2 =	sld [smem:$0x3FAA]  }
0x29: {  	s4 =	sld [smem:$0x3FAC]  }
0x2a: {  	p0 =	seq.s32 s5, $0x0;
	s5 =	sld [smem:$0x3FAD]  }
0x2b: {  	s6 =	sld [smem:$0x3FAE]  }
0x2c: {  	s7 =	sld [smem:$0x3FAF]  }
0x2d: {  	s3 =	simm.s32 $0x108;
	s8 =	sld [smem:$0x3FB0]  }
0x2e: {  	s3 =	simm.s32 @!p0 $0x1082;
	s9 =	sld [smem:$0x3FB1]  }
0x2f: {  	lr =	sadd.s32 s0, s3;
	s0 =	sld [smem:$0x3FA8]  }
0x30: {  	s3 =	sld [smem:$0x3FAB]  }
0x31: {  	[smem:$0x3FB4] =	sst s10  }
0x32: {  	s10 =	sld [smem:$0x3FB2];
	_ =	sdelay $0x3  }
0x33: {  	p0 =	seq.s32 s10, $0x1;
	s10 =	sld [smem:$0x3FB4];
	_ =	sdelay $0x3  }
0x34: {  	[smem:$0x3FB4] =	sst s10  }
0x35: {  	s10 =	sld [smem:$0x3FB3];
	_ =	sdelay $0x3  }
0x36: {  	p1 =	seq.s32 s10, $0x1;
	s10 =	sld [smem:$0x3FB4];
	_ =	sdelay $0x3  }
0x37: {  	[smem:$0x3FB4] =	sst s10  }
0x38: {  	s10 =	sld [smem:$0x3FB5]  }
0x39: {  	_ = 	snop;
	(pc) =	sbr.ind lr, $3  }
0x3a: {  	_ = 	snop  }
0x3b: {  	_ = 	snop  }
0x3c: {  	p2 =	seq.s32 s10, $0x1;
	s10 =	sld [smem:$0x3FB4]  }
0x3d: {  	_ =	shalt  }
0x3e: {  	_ =	shalt  }
0x3f: {  	_ =	shalt  }
0x40: {  	_ =	shalt  }
0x41: {  	_ =	shalt  }
0x42: {  	_ =	shalt  }
0x43: {  	_ =	shalt  }
0x44: {  	_ =	shalt  }
0x45: {  	_ =	shalt  }
0x46: {  	_ =	shalt  }
0x47: {  	_ =	shalt  }
0x48: {  	_ =	shalt  }
0x49: {  	_ =	shalt  }
0x4a: {  	_ =	shalt  }
0x4b: {  	_ =	shalt  }
0x4c: {  	_ =	shalt  }
0x4d: {  	_ =	shalt  }
0x4e: {  	_ =	shalt  }
0x4f: {  	_ =	shalt  }
0x50: {  	_ =	shalt  }
0x51: {  	_ =	shalt  }
0x52: {  	_ =	shalt  }
0x53: {  	_ =	shalt  }
0x54: {  	_ =	shalt  }
0x55: {  	_ =	shalt  }
0x56: {  	_ =	shalt  }
0x57: {  	_ =	shalt  }
0x58: {  	_ =	shalt  }
0x59: {  	_ =	shalt  }
0x5a: {  	_ =	shalt  }
0x5b: {  	_ =	shalt  }
0x5c: {  	_ =	shalt  }
0x5d: {  	_ =	shalt  }
0x5e: {  	_ =	shalt  }
0x5f: {  	_ =	shalt  }
0x60: {  	_ =	shalt  }
0x61: {  	_ =	shalt  }
0x62: {  	_ =	shalt  }
0x63: {  	_ =	shalt  }
0x64: {  	_ =	shalt  }
0x65: {  	_ =	shalt  }
0x66: {  	_ =	shalt  }
0x67: {  	_ =	shalt  }
0x68: {  	_ =	shalt  }
0x69: {  	_ =	shalt  }
0x6a: {  	_ =	shalt  }
0x6b: {  	_ =	shalt  }
0x6c: {  	_ =	shalt  }
0x6d: {  	_ =	shalt  }
0x6e: {  	_ =	shalt  }
0x6f: {  	_ =	shalt  }
0x70: {  	_ =	shalt  }
0x71: {  	_ =	shalt  }
0x72: {  	_ =	shalt  }
0x73: {  	_ =	shalt  }
0x74: {  	_ =	shalt  }
0x75: {  	_ =	shalt  }
0x76: {  	_ =	shalt  }
0x77: {  	_ =	shalt  }
0x78: {  	_ =	shalt  }
0x79: {  	_ =	shalt  }
0x7a: {  	_ =	shalt  }
0x7b: {  	_ =	shalt  }
0x7c: {  	_ =	shalt  }
0x7d: {  	_ =	shalt  }
0x7e: {  	_ =	shalt  }
0x7f: {  	_ =	shalt  }
0x80: {  	_ =	shalt  }
0x81: {  	_ =	shalt  }
0x82: {  	_ =	shalt  }
0x83: {  	_ =	shalt  }
0x84: {  	_ =	shalt  }
0x85: {  	_ =	shalt  }
0x86: {  	_ =	shalt  }
0x87: {  	_ =	shalt  }
.Lfunc_end0:
.L_simem_size_0:
called_computation_lowered:
.L_overlay_start_0:
0x88: {  	s2 =	sld [smem:$0x3FD9]  }
0x89: {  	s3 =	sld [smem:$0x3FFE];
	_ =	sdelay $0x1  }
0x8a: {  	s1 =	srdreg.scid  }
0x8b: {  	s0 =	sand.u32 $0x1, s1  }
0x8c: {  	s16 =	sshll.u32 s0, $0xA;
	s2 =	sadd.s32 s3, s2  }
0x8d: {  	s2 =	sadd.s32 s2, s16  }
0x8e: {  	[smem:$0x3FC0] =	sst s2  }
0x8f: {  	_ = 	snop  }
0x90: {  	(tm) =	ssettm $0x1  }
0x91: {  	s17 =	sld [smem:$0x3FFB];
	_ =	sdelay $0x3  }
0x92: {  	_ =	strace s17  }
0x93: {  	s2 =	sld [smem:$0x3FFC];
	_ =	sdelay $0x3  }
0x94: {  	_ =	strace s2  }
0x95: {  	s2 =	sld [smem:$0x3FFD];
	_ =	sdelay $0x3  }
0x96: {  	_ =	strace s2  }
0x97: {  	_ =	strace $0x8FFFFFFF  }
0x98: {  	s18 =	sld [smem:$0x3FDB];
	_ =	sdelay $0x1  }
0x99: {  	s19 =	simm.s32 $_scs_section_size  }
0x9a: {  	s4 =	simm.s32 $_size__tile_overlayer_lowered;
	s5 =	simm.s32 $_tile_overlayer_lowered  }
0x9b: {  	s22 =	simm.s32 $0x1BFF;
	s21 =	sshll.u32 s5, $0x1;
	s2 =	sadd.s32 s19, s18  }
0x9c: {  	s6 =	simm.s32 $0x0;
	s20 =	sshll.u32 s4, $0x1;
	s4 =	sadd.s32 s21, s2  }
0x9d: {  	[timem:s6], [sflag:s22] =	dma.local [hbm:s4], s20  }
0x9e: {  	_ =	swait.ge [sflag:s22], s20  }
0x9f: {  	s3 =	ssub.s32 $0x0, s20;
	[sflag:s22] =	ssyncset.done $0x0  }
0xa0: {  	[sflag:s22] =	ssyncadd.s32 s3;
	_ =	sdelay $0x1  }
0xa1: {  	s23 =	simm.s32 $0x1B8B  }
0xa2: {  	_ =	swait.ge [sflag:s23], $0x1  }
0xa3: {  	[sflag:s23] =	ssyncset.done $0x0  }
0xa4: {  	s25 =	simm.s32 $0x1B8E;
	s24 =	sld [smem:$0x3FFE];
	[sflag:s23] =	ssyncadd.s32 $0xFFFFFFFF  }
0xa5: {  	s26 =	simm.s32 $execute0_lowered;
	[smem:$0x3FD2] =	sst s25  }
0xa6: {  	s4 =	sshll.u32 s26, $0x1;
	_ =	strace $0x80000046;
	[dreg:$0x1] =	wrdreg $0xFFFFFFFF  }
0xa7: {  	s28 =	simm.s32 $_size_execute0_lowered;
	s2 =	sadd.s32 s2, s4;
	[dreg:$0x0] =	wrdreg $0x0  }
0xa8: {  	s4 =	sshll.u32 s28, $0x1;
	[dreg:$0x2] =	wrdreg s2  }
0xa9: {  	[dreg:$0x3] =	wrdreg s4  }
0xaa: {  	[dreg:$0x4] =	wrdreg $0xC0  }
0xab: {  	_ =	task [dreg:s6], $0x5FFFF  }
0xac: {  	[dreg:$0x1] =	wrdreg $0xFFFFFFFF  }
0xad: {  	[dreg:$0x0] =	wrdreg $0x60  }
0xae: {  	[dreg:$0x2] =	wrdreg s24  }
0xaf: {  	[dreg:$0x3] =	wrdreg $0x0  }
0xb0: {  	[dreg:$0x4] =	wrdreg $0x9  }
0xb1: {  	_ =	task.clear_ibuf [dreg:s6], $0x5FFFF;
	_ =	strace $0x90000046  }
0xb2: {  	s29 =	simm.s32 $0x9;
	_ =	strace $0x80000048  }
0xb3: {  	_ =	swait.ge [sflag:s29], $0x1  }
0xb4: {  	[sflag:s29] =	ssyncadd.s32 $0xFFFFFFFF  }
0xb5: {  	_ =	strace $0x90000048  }
0xb6: {  	_ =	sfence  }
0xb7: {  	s30 =	sld [smem:$0x0];
	_ =	sdelay $0x2  }
0xb8: {  	s31 =	sshll.u32 s1, $0xD;
	s1 =	sshrl.u32 s1, $0x2  }
0xb9: {  	s3 =	sand.u32 $0x4000, s31;
	s1 =	sadd.s32 s1, s30  }
0xba: {  	s0 =	sor.u32 s3, s0;
	s1 =	sshll.u32 s1, $0x11  }
0xbb: {  	s0 =	sor.u32 s1, s0  }
0xbc: {  	s0 =	sadd.s32 $0x8F2B, s0  }
0xbd: {  	[sflag:s0] =	ssyncadd.remote.s32 $0x1  }
0xbe: {  	_ =	sfence.sel $0xFFFF  }
0xbf: {  	[dreg:$0x0] =	wrdreg $0xFFFFFFFF;
	(pc) =	sbr.abs _section_cstart, $3  }
0xc0: {  	[dreg:$0x1] =	wrdreg $0xFFFFFFFF  }
0xc1: {  	_ =	task.clear_ibuf [dreg:s6], $0x2FFFF;
	_ =	strace $0x9FFFFFFF  }
0xc2: {  	(tm) =	ssettm $0x7FFFFFFF  }
0xc3: {  	_ =	shalt  }
tec
execute0_lowered:
.L_overlay_start_1:
0x0: {  	(tag) =	ssettag $0x1  }
0x1: {  	s4 =	rddreg [dreg:$0x0];
	s1 =	srdreg.scid  }
0x2: {  	s0 =	stileid.u32;
	s2 =	rddreg [dreg:$0x1]  }
0x3: {  	s3 =	simm.s32 $0x0;
	s11 =	simm.s32 $0x50;
	s12 =	simm.s32 $0x4F8  }
0x4: {  	s5 =	sand.u32 $0x1, s1;
	s6 =	smul.u32 $0x278, s0;
	s1 =	rddreg [dreg:$0x2]  }
0x5: {  	s13 =	simm.s32 $0x0;
	[smem:$0x7FF] =	sst s3;
	s7 =	smul.u32 $0x2780, s5  }
0x6: {  	s9 =	sshll.u32 s0, $0xB;
	s8 =	sshll.u32 s5, $0xF;
	s5 =	ssub.s32 $0x2, s5  }
0x7: {  	_ =	strace $0x80000047;
	s31 =	sshrl.u32 s5, $0x1;
	s7 =	sadd.s32 s6, s7  }
0x8: {  	s8 =	sadd.s32 s8, s4;
	s10 =	ssub.s32 s5, s31;
	s7 =	sshrl.u32 s7, $0x3  }
0x9: {  	s8 =	sadd.s32 s9, s8;
	s9 =	simm.s32 $0x1;
	s7 =	sadd.s32 s7, s4  }
0xa: {  	s4 =	sadd.s32 s6, s2;
	s6 =	smax.u32 s10, $0x1;
	s10 =	simm.s32 $0x578  }
0xb: {  	v0 =	vimm.f32 $0.0e+00;
	v1 =	vimm.f32 $1.000000000e+00;
	s5 =	sadd.s32 $0x1BC00, s7;
	s7 =	sadd.s32 $0xBC00, s8;
	s8 =	simm.s32 $0x278  }
.LBB2_1:
0xc: {  	[tilespmem:$0x278] =	vst v0  }
0xd: {  	[tilespmem:$0x288] =	vst v0  }
0xe: {  	[tilespmem:$0x298] =	vst v0  }
0xf: {  	[tilespmem:$0x2A8] =	vst v0  }
0x10: {  	[tilespmem:$0x2B8] =	vst v0  }
0x11: {  	[tilespmem:$0x2C8] =	vst v0  }
0x12: {  	[tilespmem:$0x2D8] =	vst v0  }
0x13: {  	[tilespmem:$0x2E8] =	vst v0  }
0x14: {  	[tilespmem:$0x2F8] =	vst v0  }
0x15: {  	[tilespmem:$0x308] =	vst v0  }
0x16: {  	[tilespmem:$0x318] =	vst v0  }
0x17: {  	[tilespmem:$0x328] =	vst v0  }
0x18: {  	[tilespmem:$0x338] =	vst v0  }
0x19: {  	[tilespmem:$0x348] =	vst v0  }
0x1a: {  	[tilespmem:$0x358] =	vst v0  }
0x1b: {  	[tilespmem:$0x368] =	vst v0  }
0x1c: {  	[tilespmem:$0x378] =	vst v0  }
0x1d: {  	[tilespmem:$0x388] =	vst v0  }
0x1e: {  	[tilespmem:$0x398] =	vst v0  }
0x1f: {  	[tilespmem:$0x3A8] =	vst v0  }
0x20: {  	[tilespmem:$0x3B8] =	vst v0  }
0x21: {  	[tilespmem:$0x3C8] =	vst v0  }
0x22: {  	[tilespmem:$0x3D8] =	vst v0  }
0x23: {  	[tilespmem:$0x3E8] =	vst v0  }
0x24: {  	[tilespmem:$0x3F8] =	vst v0  }
0x25: {  	[tilespmem:$0x408] =	vst v0  }
0x26: {  	[tilespmem:$0x418] =	vst v0  }
0x27: {  	[tilespmem:$0x428] =	vst v0  }
0x28: {  	[tilespmem:$0x438] =	vst v0  }
0x29: {  	[tilespmem:$0x448] =	vst v0  }
0x2a: {  	[tilespmem:$0x458] =	vst v0  }
0x2b: {  	[tilespmem:$0x468] =	vst v0  }
0x2c: {  	[tilespmem:$0x478] =	vst v0  }
0x2d: {  	[tilespmem:$0x488] =	vst v0  }
0x2e: {  	[tilespmem:$0x498] =	vst v0  }
0x2f: {  	[tilespmem:$0x4A8] =	vst v0  }
0x30: {  	[tilespmem:$0x4B8] =	vst v0  }
0x31: {  	[tilespmem:$0x4C8] =	vst v0  }
0x32: {  	[tilespmem:$0x4D8] =	vst v0  }
0x33: {  	[tilespmem:$0x4F8] =	vst v1  }
0x34: {  	[tilespmem:$0x508] =	vst v1  }
0x35: {  	[tilespmem:$0x518] =	vst v1  }
0x36: {  	[tilespmem:$0x528] =	vst v1  }
0x37: {  	[tilespmem:$0x538] =	vst v1  }
0x38: {  	[spmem:s4] =	stream.linear.scatter [tilespmem:s8], [sflag:$0x1], $0x278, $0x38;
	[tilespmem:$0x5F8] =	vst v63  }
0x39: {  	_ =	swait.ge [sflag:s9], $0x278  }
0x3a: {  	[sflag:s9] =	ssyncset.done $0x0  }
0x3b: {  	[sflag:s9] =	ssyncadd.s32 $0xFFFFFD88  }
0x3c: {  	s14 =	sadd.s32 $0x0, s7;
	[bflag:$0x0] =	sbarrier.arrive $0xFFFF  }
0x3d: {  	[tilespmem:s10], [sflag:$0x1] =	stream.linear.gather [hbm4b:s14+s3], $0x80, $0x38;
	[tilespmem:$0x5F8] =	vst v63  }
0x3e: {  	_ =	swait.ge [sflag:s9], $0x80  }
0x3f: {  	[sflag:s9] =	ssyncset.done $0x0  }
0x40: {  	[sflag:s9] =	ssyncadd.s32 $0xFFFFFF80  }
0x41: {  	[spmem:s2] =	stream.indirect.scatter.add.f32 [tilespmem:s12], [sflag:$0x1], $0x1, s10, s11, $0xb8;
	[tilespmem:$0x5F8] =	vst v63  }
0x42: {  	_ =	swait.ge [sflag:s9], $0x50  }
0x43: {  	s15 =	simm.s32 $0x20;
	s14 =	simm.s32 $0x10;
	[sflag:s9] =	ssyncset.done $0x0  }
.LBB2_2:
0x44: {  	s16 =	sadd.s32 s14, s7  }
0x45: {  	[sflag:s9] =	ssyncadd.s32 $0xFFFFFFB0;
	s14 =	smov.u32 s15;
	s17 =	sadd.s32 $0x10, s15  }
0x46: {  	[tilespmem:s10], [sflag:$0x1] =	stream.linear.gather [hbm4b:s16+s3], $0x80, $0x38;
	[tilespmem:$0x5F8] =	vst v63  }
0x47: {  	p0 =	sne.s32 s15, $0x7C0;
	_ =	swait.ge [sflag:s9], $0x80  }
.Ltmp0:
0x48: {  	[sflag:s9] =	ssyncset.done $0x0;
	(pc) =	sbr.rel @p0 .LBB2_2-.Ltmp0, $4  }
0x49: {  	[sflag:s9] =	ssyncadd.s32 $0xFFFFFF80  }
0x4a: {  	[spmem:s2] =	stream.indirect.scatter.add.f32 [tilespmem:s12], [sflag:$0x1], $0x1, s10, s11, $0xb8;
	[tilespmem:$0x5F8] =	vst v63  }
0x4b: {  	_ =	swait.ge [sflag:s9], $0x50  }
0x4c: {  	s15 =	smov.u32 s17;
	[sflag:s9] =	ssyncset.done $0x0  }
0x4d: {  	s14 =	sadd.s32 s14, s7;
	[sflag:s9] =	ssyncadd.s32 $0xFFFFFFB0  }
0x4e: {  	[tilespmem:s10], [sflag:$0x1] =	stream.linear.gather [hbm4b:s14+s3], $0x80, $0x38;
	[tilespmem:$0x5F8] =	vst v63  }
0x4f: {  	_ =	swait.ge [sflag:s9], $0x80  }
0x50: {  	[sflag:s9] =	ssyncset.done $0x0  }
0x51: {  	[sflag:s9] =	ssyncadd.s32 $0xFFFFFF80  }
0x52: {  	[spmem:s2] =	stream.indirect.scatter.add.f32 [tilespmem:s12], [sflag:$0x1], $0x1, s10, s11, $0xb8;
	[tilespmem:$0x5F8] =	vst v63  }
0x53: {  	_ =	swait.ge [sflag:s9], $0x50  }
0x54: {  	[sflag:s9] =	ssyncset.done $0x0  }
0x55: {  	[sflag:s9] =	ssyncadd.s32 $0xFFFFFFB0  }
0x56: {  	[bflag:$0x0] =	sbarrier.arrive $0xFFFF  }
0x57: {  	[tilespmem:s8], [sflag:$0x1] =	stream.linear.gather [spmem:s4], $0x278, $0x38;
	[tilespmem:$0x5F8] =	vst v63  }
0x58: {  	s13 =	sadd.s32 $0x1, s13;
	_ =	swait.ge [sflag:s9], $0x278  }
0x59: {  	p0 =	sne.s32 s13, s6;
	[sflag:s9] =	ssyncset.done $0x0  }
.Ltmp1:
0x5a: {  	[sflag:s9] =	ssyncadd.s32 $0xFFFFFD88;
	(pc) =	sbr.rel @p0 .LBB2_1-.Ltmp1, $4  }
0x5b: {  	[hbm4b:s5+s3] =	stream.linear.scatter [tilespmem:s8], [sflag:$0x1], $0x278, $0x38;
	[tilespmem:$0x5F8] =	vst v63  }
0x5c: {  	_ =	swait.ge [sflag:s9], $0x278  }
0x5d: {  	[sflag:s9] =	ssyncset.done $0x0  }
0x5e: {  	[sflag:s9] =	ssyncadd.s32 $0xFFFFFD88  }
0x5f: {  	_ =	sfence.sel $0x180000  }
0x60: {  	[bflag:$0x0] =	sbarrier.arrive $0xFFFF  }
0x61: {  	p0 =	sne.s32 s0, $0x0;
	_ =	strace $0x90000047  }
0x62: {  	s0 =	sadd.s32 @!p0 $0x100000, s1;
	[bflag:$0x2] =	sbarrier.arrive $0xFFFF  }
0x63: {  	[sflag:s0] =	ssyncadd.tile.s32 @!p0 $0x1;
	_ =	shalt  }
.Lfunc_end2:
_tile_overlayer_lowered:
.L_overlay_start_2:
0x64: {  	(tag) =	ssettag $0x2  }
0x65: {  	s0 =	rddreg [dreg:$0x0];
	s2 =	stileid.u32  }
0x66: {  	s1 =	rddreg [dreg:$0x1];
	p0 =	sne.s32 s2, $0x0  }
0x67: {  	s3 =	rddreg [dreg:$0x2];
	[bflag:$0x3] =	sbarrier.arrive $0xFFFF;
	s2 =	simm.s32 @!p0 $0x1C01  }
0x68: {  	[timem:s3], [sflag:s2] =	dma.local @!p0 [hbm:s0], s1  }
0x69: {  	s0 =	simm.s32 @!p0 $0x1  }
0x6a: {  	_ =	swait.ge @!p0 [sflag:s0], s1  }
0x6b: {  	s1 =	ssub.s32 @!p0 $0x0, s1;
	[sflag:s0] =	ssyncset.done @!p0 $0x0  }
0x6c: {  	[sflag:s0] =	ssyncadd.s32 @!p0 s1  }
0x6d: {  	[bflag:$0x3] =	sbarrier.arrive $0xFFFF  }
0x6e: {  	_ =	shalt  }

</sc_bundles>
